<compile_context>
chip_gen: v7x
topology: tpu7x:2x2x1
jax: 0.10.2.dev20260603
libtpu: 0.0.44.dev20260713+nightly
codegen_flags: <defaults>
</compile_context>

<pallas_src>
import functools

import jax
import jax.numpy as jnp
from jax.experimental import pallas as pl


def _rvq_block(zt_ref, cbbf_ref, cb2_ref, hi_ref, mid_ref, lo_ref,
               zqt_ref, idx_ref, *, n_cb, K, cd):
    R = zt_ref.shape[1]
    iota0 = jax.lax.broadcasted_iota(jnp.int32, (K, R), 0)
    carry = jnp.zeros((cd, R), dtype=jnp.float32)
    for i in range(n_cb):
        res = zt_ref[i * cd:(i + 1) * cd, :] + carry
        mm = jax.lax.dot_general(
            cbbf_ref[i], res.astype(jnp.bfloat16),
            (((1,), (0,)), ((), ())),
            preferred_element_type=jnp.float32)
        scores = cb2_ref[i] - 2.0 * mm
        m = jnp.min(scores, axis=0, keepdims=True)
        idx = jnp.min(jnp.where(scores == m, iota0, K), axis=0, keepdims=True)
        onehot = (iota0 == idx).astype(jnp.bfloat16)
        q = (jax.lax.dot_general(hi_ref[i], onehot, (((1,), (0,)), ((), ())),
                                 preferred_element_type=jnp.float32)
             + jax.lax.dot_general(mid_ref[i], onehot, (((1,), (0,)), ((), ())),
                                   preferred_element_type=jnp.float32)) \
            + jax.lax.dot_general(lo_ref[i], onehot, (((1,), (0,)), ((), ())),
                                  preferred_element_type=jnp.float32)
        zqt_ref[i * cd:(i + 1) * cd, :] = q
        idx_ref[i:i + 1, :] = idx
        if i < n_cb - 1:
            carry = res - q


@functools.partial(jax.jit, static_argnames=())
def kernel(z, codebooks):
    B, T, D = z.shape
    n_cb, K, cd = codebooks.shape
    rows = B * T
    R = 512
    zt = z.reshape(rows, D).T
    cb_bf = codebooks.astype(jnp.bfloat16)
    cb2 = jnp.sum(codebooks * codebooks, axis=-1)[..., None]
    hi = jax.lax.optimization_barrier(codebooks.astype(jnp.bfloat16))
    r1 = codebooks - hi.astype(jnp.float32)
    mid = jax.lax.optimization_barrier(r1.astype(jnp.bfloat16))
    lo = (r1 - mid.astype(jnp.float32)).astype(jnp.bfloat16)
    hiT = jnp.swapaxes(hi, 1, 2)
    midT = jnp.swapaxes(mid, 1, 2)
    loT = jnp.swapaxes(lo, 1, 2)

    zqt, idx8 = pl.pallas_call(
        functools.partial(_rvq_block, n_cb=n_cb, K=K, cd=cd),
        grid=(rows // R,),
        in_specs=[
            pl.BlockSpec((D, R), lambda b: (0, b)),
            pl.BlockSpec((n_cb, K, cd), lambda b: (0, 0, 0)),
            pl.BlockSpec((n_cb, K, 1), lambda b: (0, 0, 0)),
            pl.BlockSpec((n_cb, cd, K), lambda b: (0, 0, 0)),
            pl.BlockSpec((n_cb, cd, K), lambda b: (0, 0, 0)),
            pl.BlockSpec((n_cb, cd, K), lambda b: (0, 0, 0)),
        ],
        out_specs=[
            pl.BlockSpec((D, R), lambda b: (0, b)),
            pl.BlockSpec((n_cb, R), lambda b: (0, b)),
        ],
        out_shape=[
            jax.ShapeDtypeStruct((D, rows), jnp.float32),
            jax.ShapeDtypeStruct((n_cb, rows), jnp.int32),
        ],
    )(zt, cb_bf, cb2, hiT, midT, loT)

    z_q = zqt.T.reshape(B, T, D)
    indices = idx8.reshape(n_cb, B, T).transpose(1, 0, 2)
    return (z_q, indices)

# --- scband reference (transcript-rebuilt; emitter-appended) ---
"""Pipeline reference for scband-residual-vector-quantizer-66116726555423 (READ-ONLY COPY).

The authoritative reference and input builder live on the scoring server;
editing this copy changes nothing except your own understanding.
"""

import jax, jax.numpy as jnp
import numpy as np


def setup_inputs(seed: int = 0) -> dict:
    key = jax.random.key(seed)
    k1, k2 = jax.random.split(key)
    z = jax.random.normal(k1, (8, 4096, 512), dtype=jnp.float32)
    # learned parameters: stacked embedding tables, one per codebook
    codebooks = jax.random.normal(k2, (8, 1024, 64), dtype=jnp.float32)
    return {"z": z, "codebooks": codebooks}


def reference(z, codebooks):
    B, T, D = z.shape
    n_cb, K, cd = codebooks.shape
    res0 = z.reshape(B, T, n_cb, cd)
    carry = jnp.zeros((B, T, cd), dtype=z.dtype)
    qs = []
    idxs = []
    for i in range(n_cb):
        # residual slot i after the in-place accumulation from step i-1
        res_i = res0[:, :, i, :] + carry
        cb = codebooks[i]
        dist = (
            jnp.sum(res_i ** 2, axis=-1, keepdims=True)
            + jnp.sum(cb ** 2, axis=-1)
            - 2.0 * (res_i @ cb.T)
        )
        idx = jnp.argmin(dist, axis=-1)
        q = jnp.take(cb, idx, axis=0)
        qs.append(q)
        idxs.append(idx)
        if i < n_cb - 1:
            carry = res_i - q
    z_q = jnp.stack(qs, axis=2).reshape(B, T, D)
    indices = jnp.stack(idxs, axis=1)  # [B, n_codebooks, T]
    return (z_q, indices)

if __name__ == "__main__":
    import jax
    _d = setup_inputs()
    print(jax.jit(kernel)(*tuple(_d.values())))

</pallas_src>

<mosaic_0001>
module attributes {stable_mosaic.version = 14 : i64} {
  func.func @_rvq_block(%arg0: i32, %arg1: memref<512x512xf32, #tpu.memory_space<vmem>>, %arg2: memref<8x1024x64xbf16, #tpu.memory_space<vmem>>, %arg3: memref<8x1024x1xf32, #tpu.memory_space<vmem>>, %arg4: memref<8x64x1024xbf16, #tpu.memory_space<vmem>>, %arg5: memref<8x64x1024xbf16, #tpu.memory_space<vmem>>, %arg6: memref<8x64x1024xbf16, #tpu.memory_space<vmem>>, %arg7: memref<512x512xf32, #tpu.memory_space<vmem>>, %arg8: memref<8x512xi32, #tpu.memory_space<vmem>>) attributes {dimension_semantics = [#tpu.dimension_semantics<arbitrary>], iteration_bounds = array<i64: 64>, scalar_prefetch = 0 : i64, scratch_operands = 0 : i64, tpu.core_type = #tpu.core_type<tc>, window_params = [{transform_indices = @transform_0, window_bounds = array<i64: 512, 512>}, {pipeline_mode = #tpu.pipeline_mode<synchronous>, transform_indices = @transform_1, window_bounds = array<i64: 8, 1024, 64>}, {pipeline_mode = #tpu.pipeline_mode<synchronous>, transform_indices = @transform_2, window_bounds = array<i64: 8, 1024, 1>}, {pipeline_mode = #tpu.pipeline_mode<synchronous>, transform_indices = @transform_3, window_bounds = array<i64: 8, 64, 1024>}, {pipeline_mode = #tpu.pipeline_mode<synchronous>, transform_indices = @transform_4, window_bounds = array<i64: 8, 64, 1024>}, {pipeline_mode = #tpu.pipeline_mode<synchronous>, transform_indices = @transform_5, window_bounds = array<i64: 8, 64, 1024>}, {transform_indices = @transform_6, window_bounds = array<i64: 512, 512>}, {transform_indices = @transform_7, window_bounds = array<i64: 8, 512>}]} {
    %iota3A = tpu.iota {dimensions = array<i32: 0>} : vector<1024x512xi32>
    %broadcast_in_dim3A = arith.constant 0.000000e+00 : f32
    %broadcast_in_dim3A_0 = vector.broadcast %broadcast_in_dim3A : f32 to vector<64x512xf32>
    %get3A = arith.constant 0 : index
    %get3A_1 = arith.constant 0 : index
    %get3A_2 = vector.load %arg1[%get3A, %get3A_1] : memref<512x512xf32, #tpu.memory_space<vmem>>, vector<64x512xf32>
    %add3A = arith.addf %get3A_2, %broadcast_in_dim3A_0 : vector<64x512xf32>
    %get3A_3 = arith.constant 0 : index
    %get3A_4 = arith.constant 0 : index
    %get3A_5 = arith.constant 0 : index
    %get3A_6 = vector.load %arg2[%get3A_3, %get3A_4, %get3A_5] : memref<8x1024x64xbf16, #tpu.memory_space<vmem>>, vector<1x1024x64xbf16>
    %get3A_7 = vector.shape_cast %get3A_6 : vector<1x1024x64xbf16> to vector<1024x64xbf16>
    %convert_element_type3A = arith.truncf %add3A : vector<64x512xf32> to vector<64x512xbf16>
    %dot_general3A = arith.constant dense<0.000000e+00> : vector<1024x512xf32>
    %dot_general3A_8 = tpu.matmul %get3A_7, %convert_element_type3A, %dot_general3A {dimension_numbers = #tpu.dot_dimension_numbers<[1], [0], [0], [1], [0, 0, 1, 1], [], []>, transpose_lhs_hint = false} : vector<1024x64xbf16>, vector<64x512xbf16>, vector<1024x512xf32> -> vector<1024x512xf32>
    %get3A_9 = arith.constant 0 : index
    %get3A_10 = arith.constant 0 : index
    %get3A_11 = arith.constant 0 : index
    %get3A_12 = vector.load %arg3[%get3A_9, %get3A_10, %get3A_11] : memref<8x1024x1xf32, #tpu.memory_space<vmem>>, vector<1x1024x1xf32>
    %get3A_13 = vector.shape_cast %get3A_12 : vector<1x1024x1xf32> to vector<1024x1xf32>
    %mul3A = arith.constant 2.000000e+00 : f32
    %mul3A_14 = vector.broadcast %mul3A : f32 to vector<1024x512xf32>
    %mul3A_15 = arith.mulf %mul3A_14, %dot_general3A_8 : vector<1024x512xf32>
    %sub3A = vector.broadcast %get3A_13 : vector<1024x1xf32> to vector<1024x512xf32>
    %sub3A_16 = arith.subf %sub3A, %mul3A_15 : vector<1024x512xf32>
    %reduce_min3A = arith.constant dense<0x7F800000> : vector<512xf32>
    %reduce_min3A_17 = vector.multi_reduction <minimumf>, %sub3A_16, %reduce_min3A [0] : vector<1024x512xf32> to vector<512xf32>
    %broadcast_in_dim3A_18 = vector.shape_cast %reduce_min3A_17 : vector<512xf32> to vector<1x512xf32>
    %eq3A = vector.broadcast %broadcast_in_dim3A_18 : vector<1x512xf32> to vector<1024x512xf32>
    %eq3A_19 = arith.cmpf oeq, %sub3A_16, %eq3A : vector<1024x512xf32>
    %jit3A = arith.constant 1024 : i32
    %broadcast_in_dim3A_20 = vector.broadcast %jit3A : i32 to vector<1024x512xi32>
    %select_n3A = arith.select %eq3A_19, %iota3A, %broadcast_in_dim3A_20 : vector<1024x512xi1>, vector<1024x512xi32>
    %reduce_min3A_21 = arith.constant dense<2147483647> : vector<512xi32>
    %reduce_min3A_22 = vector.multi_reduction <minsi>, %select_n3A, %reduce_min3A_21 [0] : vector<1024x512xi32> to vector<512xi32>
    %broadcast_in_dim3A_23 = vector.shape_cast %reduce_min3A_22 : vector<512xi32> to vector<1x512xi32>
    %eq3A_24 = vector.broadcast %broadcast_in_dim3A_23 : vector<1x512xi32> to vector<1024x512xi32>
    %eq3A_25 = arith.cmpi eq, %iota3A, %eq3A_24 : vector<1024x512xi32>
    %convert_element_type3A_26 = arith.extui %eq3A_25 : vector<1024x512xi1> to vector<1024x512xi32>
    %convert_element_type3A_27 = arith.sitofp %convert_element_type3A_26 : vector<1024x512xi32> to vector<1024x512xf32>
    %convert_element_type3A_28 = arith.truncf %convert_element_type3A_27 : vector<1024x512xf32> to vector<1024x512xbf16>
    %get3A_29 = arith.constant 0 : index
    %get3A_30 = arith.constant 0 : index
    %get3A_31 = arith.constant 0 : index
    %get3A_32 = vector.load %arg4[%get3A_29, %get3A_30, %get3A_31] : memref<8x64x1024xbf16, #tpu.memory_space<vmem>>, vector<1x64x1024xbf16>
    %get3A_33 = vector.shape_cast %get3A_32 : vector<1x64x1024xbf16> to vector<64x1024xbf16>
    %dot_general3A_34 = arith.constant dense<0.000000e+00> : vector<64x512xf32>
    %dot_general3A_35 = tpu.matmul %get3A_33, %convert_element_type3A_28, %dot_general3A_34 {dimension_numbers = #tpu.dot_dimension_numbers<[1], [0], [0], [1], [0, 0, 1, 1], [], []>, transpose_lhs_hint = false} : vector<64x1024xbf16>, vector<1024x512xbf16>, vector<64x512xf32> -> vector<64x512xf32>
    %get3A_36 = arith.constant 0 : index
    %get3A_37 = arith.constant 0 : index
    %get3A_38 = arith.constant 0 : index
    %get3A_39 = vector.load %arg5[%get3A_36, %get3A_37, %get3A_38] : memref<8x64x1024xbf16, #tpu.memory_space<vmem>>, vector<1x64x1024xbf16>
    %get3A_40 = vector.shape_cast %get3A_39 : vector<1x64x1024xbf16> to vector<64x1024xbf16>
    %dot_general3A_41 = arith.constant dense<0.000000e+00> : vector<64x512xf32>
    %dot_general3A_42 = tpu.matmul %get3A_40, %convert_element_type3A_28, %dot_general3A_41 {dimension_numbers = #tpu.dot_dimension_numbers<[1], [0], [0], [1], [0, 0, 1, 1], [], []>, transpose_lhs_hint = false} : vector<64x1024xbf16>, vector<1024x512xbf16>, vector<64x512xf32> -> vector<64x512xf32>
    %add3A_43 = arith.addf %dot_general3A_35, %dot_general3A_42 : vector<64x512xf32>
    %get3A_44 = arith.constant 0 : index
    %get3A_45 = arith.constant 0 : index
    %get3A_46 = arith.constant 0 : index
    %get3A_47 = vector.load %arg6[%get3A_44, %get3A_45, %get3A_46] : memref<8x64x1024xbf16, #tpu.memory_space<vmem>>, vector<1x64x1024xbf16>
    %get3A_48 = vector.shape_cast %get3A_47 : vector<1x64x1024xbf16> to vector<64x1024xbf16>
    %dot_general3A_49 = arith.constant dense<0.000000e+00> : vector<64x512xf32>
    %dot_general3A_50 = tpu.matmul %get3A_48, %convert_element_type3A_28, %dot_general3A_49 {dimension_numbers = #tpu.dot_dimension_numbers<[1], [0], [0], [1], [0, 0, 1, 1], [], []>, transpose_lhs_hint = false} : vector<64x1024xbf16>, vector<1024x512xbf16>, vector<64x512xf32> -> vector<64x512xf32>
    %add3A_51 = arith.addf %add3A_43, %dot_general3A_50 : vector<64x512xf32>
    %swap3A = arith.constant 0 : index
    %swap3A_52 = arith.constant 0 : index
    %swap3A_53 = vector.load %arg7[%swap3A, %swap3A_52] : memref<512x512xf32, #tpu.memory_space<vmem>>, vector<64x512xf32>
    tpu.vector_store %arg7[%swap3A, %swap3A_52], %add3A_51 {strides = array<i32>} : memref<512x512xf32, #tpu.memory_space<vmem>>, vector<64x512xf32>,
    %swap3A_54 = arith.constant 0 : index
    %swap3A_55 = arith.constant 0 : index
    %swap3A_56 = vector.load %arg8[%swap3A_54, %swap3A_55] : memref<8x512xi32, #tpu.memory_space<vmem>>, vector<1x512xi32>
    tpu.vector_store %arg8[%swap3A_54, %swap3A_55], %broadcast_in_dim3A_23 {strides = array<i32>} : memref<8x512xi32, #tpu.memory_space<vmem>>, vector<1x512xi32>,
    %sub3A_57 = arith.subf %add3A, %add3A_51 : vector<64x512xf32>
    %get3A_58 = arith.constant 64 : index
    %get3A_59 = arith.constant 0 : index
    %get3A_60 = vector.load %arg1[%get3A_58, %get3A_59] : memref<512x512xf32, #tpu.memory_space<vmem>>, vector<64x512xf32>
    %add3A_61 = arith.addf %get3A_60, %sub3A_57 : vector<64x512xf32>
    %get3A_62 = arith.constant 1 : index
    %get3A_63 = arith.constant 0 : index
    %get3A_64 = arith.constant 0 : index
    %get3A_65 = vector.load %arg2[%get3A_62, %get3A_63, %get3A_64] : memref<8x1024x64xbf16, #tpu.memory_space<vmem>>, vector<1x1024x64xbf16>
    %get3A_66 = vector.shape_cast %get3A_65 : vector<1x1024x64xbf16> to vector<1024x64xbf16>
    %convert_element_type3A_67 = arith.truncf %add3A_61 : vector<64x512xf32> to vector<64x512xbf16>
    %dot_general3A_68 = arith.constant dense<0.000000e+00> : vector<1024x512xf32>
    %dot_general3A_69 = tpu.matmul %get3A_66, %convert_element_type3A_67, %dot_general3A_68 {dimension_numbers = #tpu.dot_dimension_numbers<[1], [0], [0], [1], [0, 0, 1, 1], [], []>, transpose_lhs_hint = false} : vector<1024x64xbf16>, vector<64x512xbf16>, vector<1024x512xf32> -> vector<1024x512xf32>
    %get3A_70 = arith.constant 1 : index
    %get3A_71 = arith.constant 0 : index
    %get3A_72 = arith.constant 0 : index
    %get3A_73 = vector.load %arg3[%get3A_70, %get3A_71, %get3A_72] : memref<8x1024x1xf32, #tpu.memory_space<vmem>>, vector<1x1024x1xf32>
    %get3A_74 = vector.shape_cast %get3A_73 : vector<1x1024x1xf32> to vector<1024x1xf32>
    %mul3A_75 = arith.constant 2.000000e+00 : f32
    %mul3A_76 = vector.broadcast %mul3A_75 : f32 to vector<1024x512xf32>
    %mul3A_77 = arith.mulf %mul3A_76, %dot_general3A_69 : vector<1024x512xf32>
    %sub3A_78 = vector.broadcast %get3A_74 : vector<1024x1xf32> to vector<1024x512xf32>
    %sub3A_79 = arith.subf %sub3A_78, %mul3A_77 : vector<1024x512xf32>
    %reduce_min3A_80 = arith.constant dense<0x7F800000> : vector<512xf32>
    %reduce_min3A_81 = vector.multi_reduction <minimumf>, %sub3A_79, %reduce_min3A_80 [0] : vector<1024x512xf32> to vector<512xf32>
    %broadcast_in_dim3A_82 = vector.shape_cast %reduce_min3A_81 : vector<512xf32> to vector<1x512xf32>
    %eq3A_83 = vector.broadcast %broadcast_in_dim3A_82 : vector<1x512xf32> to vector<1024x512xf32>
    %eq3A_84 = arith.cmpf oeq, %sub3A_79, %eq3A_83 : vector<1024x512xf32>
    %jit3A_85 = arith.constant 1024 : i32
    %broadcast_in_dim3A_86 = vector.broadcast %jit3A_85 : i32 to vector<1024x512xi32>
    %select_n3A_87 = arith.select %eq3A_84, %iota3A, %broadcast_in_dim3A_86 : vector<1024x512xi1>, vector<1024x512xi32>
    %reduce_min3A_88 = arith.constant dense<2147483647> : vector<512xi32>
    %reduce_min3A_89 = vector.multi_reduction <minsi>, %select_n3A_87, %reduce_min3A_88 [0] : vector<1024x512xi32> to vector<512xi32>
    %broadcast_in_dim3A_90 = vector.shape_cast %reduce_min3A_89 : vector<512xi32> to vector<1x512xi32>
    %eq3A_91 = vector.broadcast %broadcast_in_dim3A_90 : vector<1x512xi32> to vector<1024x512xi32>
    %eq3A_92 = arith.cmpi eq, %iota3A, %eq3A_91 : vector<1024x512xi32>
    %convert_element_type3A_93 = arith.extui %eq3A_92 : vector<1024x512xi1> to vector<1024x512xi32>
    %convert_element_type3A_94 = arith.sitofp %convert_element_type3A_93 : vector<1024x512xi32> to vector<1024x512xf32>
    %convert_element_type3A_95 = arith.truncf %convert_element_type3A_94 : vector<1024x512xf32> to vector<1024x512xbf16>
    %get3A_96 = arith.constant 1 : index
    %get3A_97 = arith.constant 0 : index
    %get3A_98 = arith.constant 0 : index
    %get3A_99 = vector.load %arg4[%get3A_96, %get3A_97, %get3A_98] : memref<8x64x1024xbf16, #tpu.memory_space<vmem>>, vector<1x64x1024xbf16>
    %get3A_100 = vector.shape_cast %get3A_99 : vector<1x64x1024xbf16> to vector<64x1024xbf16>
    %dot_general3A_101 = arith.constant dense<0.000000e+00> : vector<64x512xf32>
    %dot_general3A_102 = tpu.matmul %get3A_100, %convert_element_type3A_95, %dot_general3A_101 {dimension_numbers = #tpu.dot_dimension_numbers<[1], [0], [0], [1], [0, 0, 1, 1], [], []>, transpose_lhs_hint = false} : vector<64x1024xbf16>, vector<1024x512xbf16>, vector<64x512xf32> -> vector<64x512xf32>
    %get3A_103 = arith.constant 1 : index
    %get3A_104 = arith.constant 0 : index
    %get3A_105 = arith.constant 0 : index
    %get3A_106 = vector.load %arg5[%get3A_103, %get3A_104, %get3A_105] : memref<8x64x1024xbf16, #tpu.memory_space<vmem>>, vector<1x64x1024xbf16>
    %get3A_107 = vector.shape_cast %get3A_106 : vector<1x64x1024xbf16> to vector<64x1024xbf16>
    %dot_general3A_108 = arith.constant dense<0.000000e+00> : vector<64x512xf32>
    %dot_general3A_109 = tpu.matmul %get3A_107, %convert_element_type3A_95, %dot_general3A_108 {dimension_numbers = #tpu.dot_dimension_numbers<[1], [0], [0], [1], [0, 0, 1, 1], [], []>, transpose_lhs_hint = false} : vector<64x1024xbf16>, vector<1024x512xbf16>, vector<64x512xf32> -> vector<64x512xf32>
    %add3A_110 = arith.addf %dot_general3A_102, %dot_general3A_109 : vector<64x512xf32>
    %get3A_111 = arith.constant 1 : index
    %get3A_112 = arith.constant 0 : index
    %get3A_113 = arith.constant 0 : index
    %get3A_114 = vector.load %arg6[%get3A_111, %get3A_112, %get3A_113] : memref<8x64x1024xbf16, #tpu.memory_space<vmem>>, vector<1x64x1024xbf16>
    %get3A_115 = vector.shape_cast %get3A_114 : vector<1x64x1024xbf16> to vector<64x1024xbf16>
    %dot_general3A_116 = arith.constant dense<0.000000e+00> : vector<64x512xf32>
    %dot_general3A_117 = tpu.matmul %get3A_115, %convert_element_type3A_95, %dot_general3A_116 {dimension_numbers = #tpu.dot_dimension_numbers<[1], [0], [0], [1], [0, 0, 1, 1], [], []>, transpose_lhs_hint = false} : vector<64x1024xbf16>, vector<1024x512xbf16>, vector<64x512xf32> -> vector<64x512xf32>
    %add3A_118 = arith.addf %add3A_110, %dot_general3A_117 : vector<64x512xf32>
    %swap3A_119 = arith.constant 64 : index
    %swap3A_120 = arith.constant 0 : index
    %swap3A_121 = vector.load %arg7[%swap3A_119, %swap3A_120] : memref<512x512xf32, #tpu.memory_space<vmem>>, vector<64x512xf32>
    tpu.vector_store %arg7[%swap3A_119, %swap3A_120], %add3A_118 {strides = array<i32>} : memref<512x512xf32, #tpu.memory_space<vmem>>, vector<64x512xf32>,
    %swap3A_122 = arith.constant 1 : index
    %swap3A_123 = arith.constant 0 : index
    %swap3A_124 = vector.load %arg8[%swap3A_122, %swap3A_123] : memref<8x512xi32, #tpu.memory_space<vmem>>, vector<1x512xi32>
    tpu.vector_store %arg8[%swap3A_122, %swap3A_123], %broadcast_in_dim3A_90 {strides = array<i32>} : memref<8x512xi32, #tpu.memory_space<vmem>>, vector<1x512xi32>,
    %sub3A_125 = arith.subf %add3A_61, %add3A_118 : vector<64x512xf32>
    %get3A_126 = arith.constant 128 : index
    %get3A_127 = arith.constant 0 : index
    %get3A_128 = vector.load %arg1[%get3A_126, %get3A_127] : memref<512x512xf32, #tpu.memory_space<vmem>>, vector<64x512xf32>
    %add3A_129 = arith.addf %get3A_128, %sub3A_125 : vector<64x512xf32>
    %get3A_130 = arith.constant 2 : index
    %get3A_131 = arith.constant 0 : index
    %get3A_132 = arith.constant 0 : index
    %get3A_133 = vector.load %arg2[%get3A_130, %get3A_131, %get3A_132] : memref<8x1024x64xbf16, #tpu.memory_space<vmem>>, vector<1x1024x64xbf16>
    %get3A_134 = vector.shape_cast %get3A_133 : vector<1x1024x64xbf16> to vector<1024x64xbf16>
    %convert_element_type3A_135 = arith.truncf %add3A_129 : vector<64x512xf32> to vector<64x512xbf16>
    %dot_general3A_136 = arith.constant dense<0.000000e+00> : vector<1024x512xf32>
    %dot_general3A_137 = tpu.matmul %get3A_134, %convert_element_type3A_135, %dot_general3A_136 {dimension_numbers = #tpu.dot_dimension_numbers<[1], [0], [0], [1], [0, 0, 1, 1], [], []>, transpose_lhs_hint = false} : vector<1024x64xbf16>, vector<64x512xbf16>, vector<1024x512xf32> -> vector<1024x512xf32>
    %get3A_138 = arith.constant 2 : index
    %get3A_139 = arith.constant 0 : index
    %get3A_140 = arith.constant 0 : index
    %get3A_141 = vector.load %arg3[%get3A_138, %get3A_139, %get3A_140] : memref<8x1024x1xf32, #tpu.memory_space<vmem>>, vector<1x1024x1xf32>
    %get3A_142 = vector.shape_cast %get3A_141 : vector<1x1024x1xf32> to vector<1024x1xf32>
    %mul3A_143 = arith.constant 2.000000e+00 : f32
    %mul3A_144 = vector.broadcast %mul3A_143 : f32 to vector<1024x512xf32>
    %mul3A_145 = arith.mulf %mul3A_144, %dot_general3A_137 : vector<1024x512xf32>
    %sub3A_146 = vector.broadcast %get3A_142 : vector<1024x1xf32> to vector<1024x512xf32>
    %sub3A_147 = arith.subf %sub3A_146, %mul3A_145 : vector<1024x512xf32>
    %reduce_min3A_148 = arith.constant dense<0x7F800000> : vector<512xf32>
    %reduce_min3A_149 = vector.multi_reduction <minimumf>, %sub3A_147, %reduce_min3A_148 [0] : vector<1024x512xf32> to vector<512xf32>
    %broadcast_in_dim3A_150 = vector.shape_cast %reduce_min3A_149 : vector<512xf32> to vector<1x512xf32>
    %eq3A_151 = vector.broadcast %broadcast_in_dim3A_150 : vector<1x512xf32> to vector<1024x512xf32>
    %eq3A_152 = arith.cmpf oeq, %sub3A_147, %eq3A_151 : vector<1024x512xf32>
    %jit3A_153 = arith.constant 1024 : i32
    %broadcast_in_dim3A_154 = vector.broadcast %jit3A_153 : i32 to vector<1024x512xi32>
    %select_n3A_155 = arith.select %eq3A_152, %iota3A, %broadcast_in_dim3A_154 : vector<1024x512xi1>, vector<1024x512xi32>
    %reduce_min3A_156 = arith.constant dense<2147483647> : vector<512xi32>
    %reduce_min3A_157 = vector.multi_reduction <minsi>, %select_n3A_155, %reduce_min3A_156 [0] : vector<1024x512xi32> to vector<512xi32>
    %broadcast_in_dim3A_158 = vector.shape_cast %reduce_min3A_157 : vector<512xi32> to vector<1x512xi32>
    %eq3A_159 = vector.broadcast %broadcast_in_dim3A_158 : vector<1x512xi32> to vector<1024x512xi32>
    %eq3A_160 = arith.cmpi eq, %iota3A, %eq3A_159 : vector<1024x512xi32>
    %convert_element_type3A_161 = arith.extui %eq3A_160 : vector<1024x512xi1> to vector<1024x512xi32>
    %convert_element_type3A_162 = arith.sitofp %convert_element_type3A_161 : vector<1024x512xi32> to vector<1024x512xf32>
    %convert_element_type3A_163 = arith.truncf %convert_element_type3A_162 : vector<1024x512xf32> to vector<1024x512xbf16>
    %get3A_164 = arith.constant 2 : index
    %get3A_165 = arith.constant 0 : index
    %get3A_166 = arith.constant 0 : index
    %get3A_167 = vector.load %arg4[%get3A_164, %get3A_165, %get3A_166] : memref<8x64x1024xbf16, #tpu.memory_space<vmem>>, vector<1x64x1024xbf16>
    %get3A_168 = vector.shape_cast %get3A_167 : vector<1x64x1024xbf16> to vector<64x1024xbf16>
    %dot_general3A_169 = arith.constant dense<0.000000e+00> : vector<64x512xf32>
    %dot_general3A_170 = tpu.matmul %get3A_168, %convert_element_type3A_163, %dot_general3A_169 {dimension_numbers = #tpu.dot_dimension_numbers<[1], [0], [0], [1], [0, 0, 1, 1], [], []>, transpose_lhs_hint = false} : vector<64x1024xbf16>, vector<1024x512xbf16>, vector<64x512xf32> -> vector<64x512xf32>
    %get3A_171 = arith.constant 2 : index
    %get3A_172 = arith.constant 0 : index
    %get3A_173 = arith.constant 0 : index
    %get3A_174 = vector.load %arg5[%get3A_171, %get3A_172, %get3A_173] : memref<8x64x1024xbf16, #tpu.memory_space<vmem>>, vector<1x64x1024xbf16>
    %get3A_175 = vector.shape_cast %get3A_174 : vector<1x64x1024xbf16> to vector<64x1024xbf16>
    %dot_general3A_176 = arith.constant dense<0.000000e+00> : vector<64x512xf32>
    %dot_general3A_177 = tpu.matmul %get3A_175, %convert_element_type3A_163, %dot_general3A_176 {dimension_numbers = #tpu.dot_dimension_numbers<[1], [0], [0], [1], [0, 0, 1, 1], [], []>, transpose_lhs_hint = false} : vector<64x1024xbf16>, vector<1024x512xbf16>, vector<64x512xf32> -> vector<64x512xf32>
    %add3A_178 = arith.addf %dot_general3A_170, %dot_general3A_177 : vector<64x512xf32>
    %get3A_179 = arith.constant 2 : index
    %get3A_180 = arith.constant 0 : index
    %get3A_181 = arith.constant 0 : index
    %get3A_182 = vector.load %arg6[%get3A_179, %get3A_180, %get3A_181] : memref<8x64x1024xbf16, #tpu.memory_space<vmem>>, vector<1x64x1024xbf16>
    %get3A_183 = vector.shape_cast %get3A_182 : vector<1x64x1024xbf16> to vector<64x1024xbf16>
    %dot_general3A_184 = arith.constant dense<0.000000e+00> : vector<64x512xf32>
    %dot_general3A_185 = tpu.matmul %get3A_183, %convert_element_type3A_163, %dot_general3A_184 {dimension_numbers = #tpu.dot_dimension_numbers<[1], [0], [0], [1], [0, 0, 1, 1], [], []>, transpose_lhs_hint = false} : vector<64x1024xbf16>, vector<1024x512xbf16>, vector<64x512xf32> -> vector<64x512xf32>
    %add3A_186 = arith.addf %add3A_178, %dot_general3A_185 : vector<64x512xf32>
    %swap3A_187 = arith.constant 128 : index
    %swap3A_188 = arith.constant 0 : index
    %swap3A_189 = vector.load %arg7[%swap3A_187, %swap3A_188] : memref<512x512xf32, #tpu.memory_space<vmem>>, vector<64x512xf32>
    tpu.vector_store %arg7[%swap3A_187, %swap3A_188], %add3A_186 {strides = array<i32>} : memref<512x512xf32, #tpu.memory_space<vmem>>, vector<64x512xf32>,
    %swap3A_190 = arith.constant 2 : index
    %swap3A_191 = arith.constant 0 : index
    %swap3A_192 = vector.load %arg8[%swap3A_190, %swap3A_191] : memref<8x512xi32, #tpu.memory_space<vmem>>, vector<1x512xi32>
    tpu.vector_store %arg8[%swap3A_190, %swap3A_191], %broadcast_in_dim3A_158 {strides = array<i32>} : memref<8x512xi32, #tpu.memory_space<vmem>>, vector<1x512xi32>,
    %sub3A_193 = arith.subf %add3A_129, %add3A_186 : vector<64x512xf32>
    %get3A_194 = arith.constant 192 : index
    %get3A_195 = arith.constant 0 : index
    %get3A_196 = vector.load %arg1[%get3A_194, %get3A_195] : memref<512x512xf32, #tpu.memory_space<vmem>>, vector<64x512xf32>
    %add3A_197 = arith.addf %get3A_196, %sub3A_193 : vector<64x512xf32>
    %get3A_198 = arith.constant 3 : index
    %get3A_199 = arith.constant 0 : index
    %get3A_200 = arith.constant 0 : index
    %get3A_201 = vector.load %arg2[%get3A_198, %get3A_199, %get3A_200] : memref<8x1024x64xbf16, #tpu.memory_space<vmem>>, vector<1x1024x64xbf16>
    %get3A_202 = vector.shape_cast %get3A_201 : vector<1x1024x64xbf16> to vector<1024x64xbf16>
    %convert_element_type3A_203 = arith.truncf %add3A_197 : vector<64x512xf32> to vector<64x512xbf16>
    %dot_general3A_204 = arith.constant dense<0.000000e+00> : vector<1024x512xf32>
    %dot_general3A_205 = tpu.matmul %get3A_202, %convert_element_type3A_203, %dot_general3A_204 {dimension_numbers = #tpu.dot_dimension_numbers<[1], [0], [0], [1], [0, 0, 1, 1], [], []>, transpose_lhs_hint = false} : vector<1024x64xbf16>, vector<64x512xbf16>, vector<1024x512xf32> -> vector<1024x512xf32>
    %get3A_206 = arith.constant 3 : index
    %get3A_207 = arith.constant 0 : index
    %get3A_208 = arith.constant 0 : index
    %get3A_209 = vector.load %arg3[%get3A_206, %get3A_207, %get3A_208] : memref<8x1024x1xf32, #tpu.memory_space<vmem>>, vector<1x1024x1xf32>
    %get3A_210 = vector.shape_cast %get3A_209 : vector<1x1024x1xf32> to vector<1024x1xf32>
    %mul3A_211 = arith.constant 2.000000e+00 : f32
    %mul3A_212 = vector.broadcast %mul3A_211 : f32 to vector<1024x512xf32>
    %mul3A_213 = arith.mulf %mul3A_212, %dot_general3A_205 : vector<1024x512xf32>
    %sub3A_214 = vector.broadcast %get3A_210 : vector<1024x1xf32> to vector<1024x512xf32>
    %sub3A_215 = arith.subf %sub3A_214, %mul3A_213 : vector<1024x512xf32>
    %reduce_min3A_216 = arith.constant dense<0x7F800000> : vector<512xf32>
    %reduce_min3A_217 = vector.multi_reduction <minimumf>, %sub3A_215, %reduce_min3A_216 [0] : vector<1024x512xf32> to vector<512xf32>
    %broadcast_in_dim3A_218 = vector.shape_cast %reduce_min3A_217 : vector<512xf32> to vector<1x512xf32>
    %eq3A_219 = vector.broadcast %broadcast_in_dim3A_218 : vector<1x512xf32> to vector<1024x512xf32>
    %eq3A_220 = arith.cmpf oeq, %sub3A_215, %eq3A_219 : vector<1024x512xf32>
    %jit3A_221 = arith.constant 1024 : i32
    %broadcast_in_dim3A_222 = vector.broadcast %jit3A_221 : i32 to vector<1024x512xi32>
    %select_n3A_223 = arith.select %eq3A_220, %iota3A, %broadcast_in_dim3A_222 : vector<1024x512xi1>, vector<1024x512xi32>
    %reduce_min3A_224 = arith.constant dense<2147483647> : vector<512xi32>
    %reduce_min3A_225 = vector.multi_reduction <minsi>, %select_n3A_223, %reduce_min3A_224 [0] : vector<1024x512xi32> to vector<512xi32>
    %broadcast_in_dim3A_226 = vector.shape_cast %reduce_min3A_225 : vector<512xi32> to vector<1x512xi32>
    %eq3A_227 = vector.broadcast %broadcast_in_dim3A_226 : vector<1x512xi32> to vector<1024x512xi32>
    %eq3A_228 = arith.cmpi eq, %iota3A, %eq3A_227 : vector<1024x512xi32>
    %convert_element_type3A_229 = arith.extui %eq3A_228 : vector<1024x512xi1> to vector<1024x512xi32>
    %convert_element_type3A_230 = arith.sitofp %convert_element_type3A_229 : vector<1024x512xi32> to vector<1024x512xf32>
    %convert_element_type3A_231 = arith.truncf %convert_element_type3A_230 : vector<1024x512xf32> to vector<1024x512xbf16>
    %get3A_232 = arith.constant 3 : index
    %get3A_233 = arith.constant 0 : index
    %get3A_234 = arith.constant 0 : index
    %get3A_235 = vector.load %arg4[%get3A_232, %get3A_233, %get3A_234] : memref<8x64x1024xbf16, #tpu.memory_space<vmem>>, vector<1x64x1024xbf16>
    %get3A_236 = vector.shape_cast %get3A_235 : vector<1x64x1024xbf16> to vector<64x1024xbf16>
    %dot_general3A_237 = arith.constant dense<0.000000e+00> : vector<64x512xf32>
    %dot_general3A_238 = tpu.matmul %get3A_236, %convert_element_type3A_231, %dot_general3A_237 {dimension_numbers = #tpu.dot_dimension_numbers<[1], [0], [0], [1], [0, 0, 1, 1], [], []>, transpose_lhs_hint = false} : vector<64x1024xbf16>, vector<1024x512xbf16>, vector<64x512xf32> -> vector<64x512xf32>
    %get3A_239 = arith.constant 3 : index
    %get3A_240 = arith.constant 0 : index
    %get3A_241 = arith.constant 0 : index
    %get3A_242 = vector.load %arg5[%get3A_239, %get3A_240, %get3A_241] : memref<8x64x1024xbf16, #tpu.memory_space<vmem>>, vector<1x64x1024xbf16>
    %get3A_243 = vector.shape_cast %get3A_242 : vector<1x64x1024xbf16> to vector<64x1024xbf16>
    %dot_general3A_244 = arith.constant dense<0.000000e+00> : vector<64x512xf32>
    %dot_general3A_245 = tpu.matmul %get3A_243, %convert_element_type3A_231, %dot_general3A_244 {dimension_numbers = #tpu.dot_dimension_numbers<[1], [0], [0], [1], [0, 0, 1, 1], [], []>, transpose_lhs_hint = false} : vector<64x1024xbf16>, vector<1024x512xbf16>, vector<64x512xf32> -> vector<64x512xf32>
    %add3A_246 = arith.addf %dot_general3A_238, %dot_general3A_245 : vector<64x512xf32>
    %get3A_247 = arith.constant 3 : index
    %get3A_248 = arith.constant 0 : index
    %get3A_249 = arith.constant 0 : index
    %get3A_250 = vector.load %arg6[%get3A_247, %get3A_248, %get3A_249] : memref<8x64x1024xbf16, #tpu.memory_space<vmem>>, vector<1x64x1024xbf16>
    %get3A_251 = vector.shape_cast %get3A_250 : vector<1x64x1024xbf16> to vector<64x1024xbf16>
    %dot_general3A_252 = arith.constant dense<0.000000e+00> : vector<64x512xf32>
    %dot_general3A_253 = tpu.matmul %get3A_251, %convert_element_type3A_231, %dot_general3A_252 {dimension_numbers = #tpu.dot_dimension_numbers<[1], [0], [0], [1], [0, 0, 1, 1], [], []>, transpose_lhs_hint = false} : vector<64x1024xbf16>, vector<1024x512xbf16>, vector<64x512xf32> -> vector<64x512xf32>
    %add3A_254 = arith.addf %add3A_246, %dot_general3A_253 : vector<64x512xf32>
    %swap3A_255 = arith.constant 192 : index
    %swap3A_256 = arith.constant 0 : index
    %swap3A_257 = vector.load %arg7[%swap3A_255, %swap3A_256] : memref<512x512xf32, #tpu.memory_space<vmem>>, vector<64x512xf32>
    tpu.vector_store %arg7[%swap3A_255, %swap3A_256], %add3A_254 {strides = array<i32>} : memref<512x512xf32, #tpu.memory_space<vmem>>, vector<64x512xf32>,
    %swap3A_258 = arith.constant 3 : index
    %swap3A_259 = arith.constant 0 : index
    %swap3A_260 = vector.load %arg8[%swap3A_258, %swap3A_259] : memref<8x512xi32, #tpu.memory_space<vmem>>, vector<1x512xi32>
    tpu.vector_store %arg8[%swap3A_258, %swap3A_259], %broadcast_in_dim3A_226 {strides = array<i32>} : memref<8x512xi32, #tpu.memory_space<vmem>>, vector<1x512xi32>,
    %sub3A_261 = arith.subf %add3A_197, %add3A_254 : vector<64x512xf32>
    %get3A_262 = arith.constant 256 : index
    %get3A_263 = arith.constant 0 : index
    %get3A_264 = vector.load %arg1[%get3A_262, %get3A_263] : memref<512x512xf32, #tpu.memory_space<vmem>>, vector<64x512xf32>
    %add3A_265 = arith.addf %get3A_264, %sub3A_261 : vector<64x512xf32>
    %get3A_266 = arith.constant 4 : index
    %get3A_267 = arith.constant 0 : index
    %get3A_268 = arith.constant 0 : index
    %get3A_269 = vector.load %arg2[%get3A_266, %get3A_267, %get3A_268] : memref<8x1024x64xbf16, #tpu.memory_space<vmem>>, vector<1x1024x64xbf16>
    %get3A_270 = vector.shape_cast %get3A_269 : vector<1x1024x64xbf16> to vector<1024x64xbf16>
    %convert_element_type3A_271 = arith.truncf %add3A_265 : vector<64x512xf32> to vector<64x512xbf16>
    %dot_general3A_272 = arith.constant dense<0.000000e+00> : vector<1024x512xf32>
    %dot_general3A_273 = tpu.matmul %get3A_270, %convert_element_type3A_271, %dot_general3A_272 {dimension_numbers = #tpu.dot_dimension_numbers<[1], [0], [0], [1], [0, 0, 1, 1], [], []>, transpose_lhs_hint = false} : vector<1024x64xbf16>, vector<64x512xbf16>, vector<1024x512xf32> -> vector<1024x512xf32>
    %get3A_274 = arith.constant 4 : index
    %get3A_275 = arith.constant 0 : index
    %get3A_276 = arith.constant 0 : index
    %get3A_277 = vector.load %arg3[%get3A_274, %get3A_275, %get3A_276] : memref<8x1024x1xf32, #tpu.memory_space<vmem>>, vector<1x1024x1xf32>
    %get3A_278 = vector.shape_cast %get3A_277 : vector<1x1024x1xf32> to vector<1024x1xf32>
    %mul3A_279 = arith.constant 2.000000e+00 : f32
    %mul3A_280 = vector.broadcast %mul3A_279 : f32 to vector<1024x512xf32>
    %mul3A_281 = arith.mulf %mul3A_280, %dot_general3A_273 : vector<1024x512xf32>
    %sub3A_282 = vector.broadcast %get3A_278 : vector<1024x1xf32> to vector<1024x512xf32>
    %sub3A_283 = arith.subf %sub3A_282, %mul3A_281 : vector<1024x512xf32>
    %reduce_min3A_284 = arith.constant dense<0x7F800000> : vector<512xf32>
    %reduce_min3A_285 = vector.multi_reduction <minimumf>, %sub3A_283, %reduce_min3A_284 [0] : vector<1024x512xf32> to vector<512xf32>
    %broadcast_in_dim3A_286 = vector.shape_cast %reduce_min3A_285 : vector<512xf32> to vector<1x512xf32>
    %eq3A_287 = vector.broadcast %broadcast_in_dim3A_286 : vector<1x512xf32> to vector<1024x512xf32>
    %eq3A_288 = arith.cmpf oeq, %sub3A_283, %eq3A_287 : vector<1024x512xf32>
    %jit3A_289 = arith.constant 1024 : i32
    %broadcast_in_dim3A_290 = vector.broadcast %jit3A_289 : i32 to vector<1024x512xi32>
    %select_n3A_291 = arith.select %eq3A_288, %iota3A, %broadcast_in_dim3A_290 : vector<1024x512xi1>, vector<1024x512xi32>
    %reduce_min3A_292 = arith.constant dense<2147483647> : vector<512xi32>
    %reduce_min3A_293 = vector.multi_reduction <minsi>, %select_n3A_291, %reduce_min3A_292 [0] : vector<1024x512xi32> to vector<512xi32>
    %broadcast_in_dim3A_294 = vector.shape_cast %reduce_min3A_293 : vector<512xi32> to vector<1x512xi32>
    %eq3A_295 = vector.broadcast %broadcast_in_dim3A_294 : vector<1x512xi32> to vector<1024x512xi32>
    %eq3A_296 = arith.cmpi eq, %iota3A, %eq3A_295 : vector<1024x512xi32>
    %convert_element_type3A_297 = arith.extui %eq3A_296 : vector<1024x512xi1> to vector<1024x512xi32>
    %convert_element_type3A_298 = arith.sitofp %convert_element_type3A_297 : vector<1024x512xi32> to vector<1024x512xf32>
    %convert_element_type3A_299 = arith.truncf %convert_element_type3A_298 : vector<1024x512xf32> to vector<1024x512xbf16>
    %get3A_300 = arith.constant 4 : index
    %get3A_301 = arith.constant 0 : index
    %get3A_302 = arith.constant 0 : index
    %get3A_303 = vector.load %arg4[%get3A_300, %get3A_301, %get3A_302] : memref<8x64x1024xbf16, #tpu.memory_space<vmem>>, vector<1x64x1024xbf16>
    %get3A_304 = vector.shape_cast %get3A_303 : vector<1x64x1024xbf16> to vector<64x1024xbf16>
    %dot_general3A_305 = arith.constant dense<0.000000e+00> : vector<64x512xf32>
    %dot_general3A_306 = tpu.matmul %get3A_304, %convert_element_type3A_299, %dot_general3A_305 {dimension_numbers = #tpu.dot_dimension_numbers<[1], [0], [0], [1], [0, 0, 1, 1], [], []>, transpose_lhs_hint = false} : vector<64x1024xbf16>, vector<1024x512xbf16>, vector<64x512xf32> -> vector<64x512xf32>
    %get3A_307 = arith.constant 4 : index
    %get3A_308 = arith.constant 0 : index
    %get3A_309 = arith.constant 0 : index
    %get3A_310 = vector.load %arg5[%get3A_307, %get3A_308, %get3A_309] : memref<8x64x1024xbf16, #tpu.memory_space<vmem>>, vector<1x64x1024xbf16>
    %get3A_311 = vector.shape_cast %get3A_310 : vector<1x64x1024xbf16> to vector<64x1024xbf16>
    %dot_general3A_312 = arith.constant dense<0.000000e+00> : vector<64x512xf32>
    %dot_general3A_313 = tpu.matmul %get3A_311, %convert_element_type3A_299, %dot_general3A_312 {dimension_numbers = #tpu.dot_dimension_numbers<[1], [0], [0], [1], [0, 0, 1, 1], [], []>, transpose_lhs_hint = false} : vector<64x1024xbf16>, vector<1024x512xbf16>, vector<64x512xf32> -> vector<64x512xf32>
    %add3A_314 = arith.addf %dot_general3A_306, %dot_general3A_313 : vector<64x512xf32>
    %get3A_315 = arith.constant 4 : index
    %get3A_316 = arith.constant 0 : index
    %get3A_317 = arith.constant 0 : index
    %get3A_318 = vector.load %arg6[%get3A_315, %get3A_316, %get3A_317] : memref<8x64x1024xbf16, #tpu.memory_space<vmem>>, vector<1x64x1024xbf16>
    %get3A_319 = vector.shape_cast %get3A_318 : vector<1x64x1024xbf16> to vector<64x1024xbf16>
    %dot_general3A_320 = arith.constant dense<0.000000e+00> : vector<64x512xf32>
    %dot_general3A_321 = tpu.matmul %get3A_319, %convert_element_type3A_299, %dot_general3A_320 {dimension_numbers = #tpu.dot_dimension_numbers<[1], [0], [0], [1], [0, 0, 1, 1], [], []>, transpose_lhs_hint = false} : vector<64x1024xbf16>, vector<1024x512xbf16>, vector<64x512xf32> -> vector<64x512xf32>
    %add3A_322 = arith.addf %add3A_314, %dot_general3A_321 : vector<64x512xf32>
    %swap3A_323 = arith.constant 256 : index
    %swap3A_324 = arith.constant 0 : index
    %swap3A_325 = vector.load %arg7[%swap3A_323, %swap3A_324] : memref<512x512xf32, #tpu.memory_space<vmem>>, vector<64x512xf32>
    tpu.vector_store %arg7[%swap3A_323, %swap3A_324], %add3A_322 {strides = array<i32>} : memref<512x512xf32, #tpu.memory_space<vmem>>, vector<64x512xf32>,
    %swap3A_326 = arith.constant 4 : index
    %swap3A_327 = arith.constant 0 : index
    %swap3A_328 = vector.load %arg8[%swap3A_326, %swap3A_327] : memref<8x512xi32, #tpu.memory_space<vmem>>, vector<1x512xi32>
    tpu.vector_store %arg8[%swap3A_326, %swap3A_327], %broadcast_in_dim3A_294 {strides = array<i32>} : memref<8x512xi32, #tpu.memory_space<vmem>>, vector<1x512xi32>,
    %sub3A_329 = arith.subf %add3A_265, %add3A_322 : vector<64x512xf32>
    %get3A_330 = arith.constant 320 : index
    %get3A_331 = arith.constant 0 : index
    %get3A_332 = vector.load %arg1[%get3A_330, %get3A_331] : memref<512x512xf32, #tpu.memory_space<vmem>>, vector<64x512xf32>
    %add3A_333 = arith.addf %get3A_332, %sub3A_329 : vector<64x512xf32>
    %get3A_334 = arith.constant 5 : index
    %get3A_335 = arith.constant 0 : index
    %get3A_336 = arith.constant 0 : index
    %get3A_337 = vector.load %arg2[%get3A_334, %get3A_335, %get3A_336] : memref<8x1024x64xbf16, #tpu.memory_space<vmem>>, vector<1x1024x64xbf16>
    %get3A_338 = vector.shape_cast %get3A_337 : vector<1x1024x64xbf16> to vector<1024x64xbf16>
    %convert_element_type3A_339 = arith.truncf %add3A_333 : vector<64x512xf32> to vector<64x512xbf16>
    %dot_general3A_340 = arith.constant dense<0.000000e+00> : vector<1024x512xf32>
    %dot_general3A_341 = tpu.matmul %get3A_338, %convert_element_type3A_339, %dot_general3A_340 {dimension_numbers = #tpu.dot_dimension_numbers<[1], [0], [0], [1], [0, 0, 1, 1], [], []>, transpose_lhs_hint = false} : vector<1024x64xbf16>, vector<64x512xbf16>, vector<1024x512xf32> -> vector<1024x512xf32>
    %get3A_342 = arith.constant 5 : index
    %get3A_343 = arith.constant 0 : index
    %get3A_344 = arith.constant 0 : index
    %get3A_345 = vector.load %arg3[%get3A_342, %get3A_343, %get3A_344] : memref<8x1024x1xf32, #tpu.memory_space<vmem>>, vector<1x1024x1xf32>
    %get3A_346 = vector.shape_cast %get3A_345 : vector<1x1024x1xf32> to vector<1024x1xf32>
    %mul3A_347 = arith.constant 2.000000e+00 : f32
    %mul3A_348 = vector.broadcast %mul3A_347 : f32 to vector<1024x512xf32>
    %mul3A_349 = arith.mulf %mul3A_348, %dot_general3A_341 : vector<1024x512xf32>
    %sub3A_350 = vector.broadcast %get3A_346 : vector<1024x1xf32> to vector<1024x512xf32>
    %sub3A_351 = arith.subf %sub3A_350, %mul3A_349 : vector<1024x512xf32>
    %reduce_min3A_352 = arith.constant dense<0x7F800000> : vector<512xf32>
    %reduce_min3A_353 = vector.multi_reduction <minimumf>, %sub3A_351, %reduce_min3A_352 [0] : vector<1024x512xf32> to vector<512xf32>
    %broadcast_in_dim3A_354 = vector.shape_cast %reduce_min3A_353 : vector<512xf32> to vector<1x512xf32>
    %eq3A_355 = vector.broadcast %broadcast_in_dim3A_354 : vector<1x512xf32> to vector<1024x512xf32>
    %eq3A_356 = arith.cmpf oeq, %sub3A_351, %eq3A_355 : vector<1024x512xf32>
    %jit3A_357 = arith.constant 1024 : i32
    %broadcast_in_dim3A_358 = vector.broadcast %jit3A_357 : i32 to vector<1024x512xi32>
    %select_n3A_359 = arith.select %eq3A_356, %iota3A, %broadcast_in_dim3A_358 : vector<1024x512xi1>, vector<1024x512xi32>
    %reduce_min3A_360 = arith.constant dense<2147483647> : vector<512xi32>
    %reduce_min3A_361 = vector.multi_reduction <minsi>, %select_n3A_359, %reduce_min3A_360 [0] : vector<1024x512xi32> to vector<512xi32>
    %broadcast_in_dim3A_362 = vector.shape_cast %reduce_min3A_361 : vector<512xi32> to vector<1x512xi32>
    %eq3A_363 = vector.broadcast %broadcast_in_dim3A_362 : vector<1x512xi32> to vector<1024x512xi32>
    %eq3A_364 = arith.cmpi eq, %iota3A, %eq3A_363 : vector<1024x512xi32>
    %convert_element_type3A_365 = arith.extui %eq3A_364 : vector<1024x512xi1> to vector<1024x512xi32>
    %convert_element_type3A_366 = arith.sitofp %convert_element_type3A_365 : vector<1024x512xi32> to vector<1024x512xf32>
    %convert_element_type3A_367 = arith.truncf %convert_element_type3A_366 : vector<1024x512xf32> to vector<1024x512xbf16>
    %get3A_368 = arith.constant 5 : index
    %get3A_369 = arith.constant 0 : index
    %get3A_370 = arith.constant 0 : index
    %get3A_371 = vector.load %arg4[%get3A_368, %get3A_369, %get3A_370] : memref<8x64x1024xbf16, #tpu.memory_space<vmem>>, vector<1x64x1024xbf16>
    %get3A_372 = vector.shape_cast %get3A_371 : vector<1x64x1024xbf16> to vector<64x1024xbf16>
    %dot_general3A_373 = arith.constant dense<0.000000e+00> : vector<64x512xf32>
    %dot_general3A_374 = tpu.matmul %get3A_372, %convert_element_type3A_367, %dot_general3A_373 {dimension_numbers = #tpu.dot_dimension_numbers<[1], [0], [0], [1], [0, 0, 1, 1], [], []>, transpose_lhs_hint = false} : vector<64x1024xbf16>, vector<1024x512xbf16>, vector<64x512xf32> -> vector<64x512xf32>
    %get3A_375 = arith.constant 5 : index
    %get3A_376 = arith.constant 0 : index
    %get3A_377 = arith.constant 0 : index
    %get3A_378 = vector.load %arg5[%get3A_375, %get3A_376, %get3A_377] : memref<8x64x1024xbf16, #tpu.memory_space<vmem>>, vector<1x64x1024xbf16>
    %get3A_379 = vector.shape_cast %get3A_378 : vector<1x64x1024xbf16> to vector<64x1024xbf16>
    %dot_general3A_380 = arith.constant dense<0.000000e+00> : vector<64x512xf32>
    %dot_general3A_381 = tpu.matmul %get3A_379, %convert_element_type3A_367, %dot_general3A_380 {dimension_numbers = #tpu.dot_dimension_numbers<[1], [0], [0], [1], [0, 0, 1, 1], [], []>, transpose_lhs_hint = false} : vector<64x1024xbf16>, vector<1024x512xbf16>, vector<64x512xf32> -> vector<64x512xf32>
    %add3A_382 = arith.addf %dot_general3A_374, %dot_general3A_381 : vector<64x512xf32>
    %get3A_383 = arith.constant 5 : index
    %get3A_384 = arith.constant 0 : index
    %get3A_385 = arith.constant 0 : index
    %get3A_386 = vector.load %arg6[%get3A_383, %get3A_384, %get3A_385] : memref<8x64x1024xbf16, #tpu.memory_space<vmem>>, vector<1x64x1024xbf16>
    %get3A_387 = vector.shape_cast %get3A_386 : vector<1x64x1024xbf16> to vector<64x1024xbf16>
    %dot_general3A_388 = arith.constant dense<0.000000e+00> : vector<64x512xf32>
    %dot_general3A_389 = tpu.matmul %get3A_387, %convert_element_type3A_367, %dot_general3A_388 {dimension_numbers = #tpu.dot_dimension_numbers<[1], [0], [0], [1], [0, 0, 1, 1], [], []>, transpose_lhs_hint = false} : vector<64x1024xbf16>, vector<1024x512xbf16>, vector<64x512xf32> -> vector<64x512xf32>
    %add3A_390 = arith.addf %add3A_382, %dot_general3A_389 : vector<64x512xf32>
    %swap3A_391 = arith.constant 320 : index
    %swap3A_392 = arith.constant 0 : index
    %swap3A_393 = vector.load %arg7[%swap3A_391, %swap3A_392] : memref<512x512xf32, #tpu.memory_space<vmem>>, vector<64x512xf32>
    tpu.vector_store %arg7[%swap3A_391, %swap3A_392], %add3A_390 {strides = array<i32>} : memref<512x512xf32, #tpu.memory_space<vmem>>, vector<64x512xf32>,
    %swap3A_394 = arith.constant 5 : index
    %swap3A_395 = arith.constant 0 : index
    %swap3A_396 = vector.load %arg8[%swap3A_394, %swap3A_395] : memref<8x512xi32, #tpu.memory_space<vmem>>, vector<1x512xi32>
    tpu.vector_store %arg8[%swap3A_394, %swap3A_395], %broadcast_in_dim3A_362 {strides = array<i32>} : memref<8x512xi32, #tpu.memory_space<vmem>>, vector<1x512xi32>,
    %sub3A_397 = arith.subf %add3A_333, %add3A_390 : vector<64x512xf32>
    %get3A_398 = arith.constant 384 : index
    %get3A_399 = arith.constant 0 : index
    %get3A_400 = vector.load %arg1[%get3A_398, %get3A_399] : memref<512x512xf32, #tpu.memory_space<vmem>>, vector<64x512xf32>
    %add3A_401 = arith.addf %get3A_400, %sub3A_397 : vector<64x512xf32>
    %get3A_402 = arith.constant 6 : index
    %get3A_403 = arith.constant 0 : index
    %get3A_404 = arith.constant 0 : index
    %get3A_405 = vector.load %arg2[%get3A_402, %get3A_403, %get3A_404] : memref<8x1024x64xbf16, #tpu.memory_space<vmem>>, vector<1x1024x64xbf16>
    %get3A_406 = vector.shape_cast %get3A_405 : vector<1x1024x64xbf16> to vector<1024x64xbf16>
    %convert_element_type3A_407 = arith.truncf %add3A_401 : vector<64x512xf32> to vector<64x512xbf16>
    %dot_general3A_408 = arith.constant dense<0.000000e+00> : vector<1024x512xf32>
    %dot_general3A_409 = tpu.matmul %get3A_406, %convert_element_type3A_407, %dot_general3A_408 {dimension_numbers = #tpu.dot_dimension_numbers<[1], [0], [0], [1], [0, 0, 1, 1], [], []>, transpose_lhs_hint = false} : vector<1024x64xbf16>, vector<64x512xbf16>, vector<1024x512xf32> -> vector<1024x512xf32>
    %get3A_410 = arith.constant 6 : index
    %get3A_411 = arith.constant 0 : index
    %get3A_412 = arith.constant 0 : index
    %get3A_413 = vector.load %arg3[%get3A_410, %get3A_411, %get3A_412] : memref<8x1024x1xf32, #tpu.memory_space<vmem>>, vector<1x1024x1xf32>
    %get3A_414 = vector.shape_cast %get3A_413 : vector<1x1024x1xf32> to vector<1024x1xf32>
    %mul3A_415 = arith.constant 2.000000e+00 : f32
    %mul3A_416 = vector.broadcast %mul3A_415 : f32 to vector<1024x512xf32>
    %mul3A_417 = arith.mulf %mul3A_416, %dot_general3A_409 : vector<1024x512xf32>
    %sub3A_418 = vector.broadcast %get3A_414 : vector<1024x1xf32> to vector<1024x512xf32>
    %sub3A_419 = arith.subf %sub3A_418, %mul3A_417 : vector<1024x512xf32>
    %reduce_min3A_420 = arith.constant dense<0x7F800000> : vector<512xf32>
    %reduce_min3A_421 = vector.multi_reduction <minimumf>, %sub3A_419, %reduce_min3A_420 [0] : vector<1024x512xf32> to vector<512xf32>
    %broadcast_in_dim3A_422 = vector.shape_cast %reduce_min3A_421 : vector<512xf32> to vector<1x512xf32>
    %eq3A_423 = vector.broadcast %broadcast_in_dim3A_422 : vector<1x512xf32> to vector<1024x512xf32>
    %eq3A_424 = arith.cmpf oeq, %sub3A_419, %eq3A_423 : vector<1024x512xf32>
    %jit3A_425 = arith.constant 1024 : i32
    %broadcast_in_dim3A_426 = vector.broadcast %jit3A_425 : i32 to vector<1024x512xi32>
    %select_n3A_427 = arith.select %eq3A_424, %iota3A, %broadcast_in_dim3A_426 : vector<1024x512xi1>, vector<1024x512xi32>
    %reduce_min3A_428 = arith.constant dense<2147483647> : vector<512xi32>
    %reduce_min3A_429 = vector.multi_reduction <minsi>, %select_n3A_427, %reduce_min3A_428 [0] : vector<1024x512xi32> to vector<512xi32>
    %broadcast_in_dim3A_430 = vector.shape_cast %reduce_min3A_429 : vector<512xi32> to vector<1x512xi32>
    %eq3A_431 = vector.broadcast %broadcast_in_dim3A_430 : vector<1x512xi32> to vector<1024x512xi32>
    %eq3A_432 = arith.cmpi eq, %iota3A, %eq3A_431 : vector<1024x512xi32>
    %convert_element_type3A_433 = arith.extui %eq3A_432 : vector<1024x512xi1> to vector<1024x512xi32>
    %convert_element_type3A_434 = arith.sitofp %convert_element_type3A_433 : vector<1024x512xi32> to vector<1024x512xf32>
    %convert_element_type3A_435 = arith.truncf %convert_element_type3A_434 : vector<1024x512xf32> to vector<1024x512xbf16>
    %get3A_436 = arith.constant 6 : index
    %get3A_437 = arith.constant 0 : index
    %get3A_438 = arith.constant 0 : index
    %get3A_439 = vector.load %arg4[%get3A_436, %get3A_437, %get3A_438] : memref<8x64x1024xbf16, #tpu.memory_space<vmem>>, vector<1x64x1024xbf16>
    %get3A_440 = vector.shape_cast %get3A_439 : vector<1x64x1024xbf16> to vector<64x1024xbf16>
    %dot_general3A_441 = arith.constant dense<0.000000e+00> : vector<64x512xf32>
    %dot_general3A_442 = tpu.matmul %get3A_440, %convert_element_type3A_435, %dot_general3A_441 {dimension_numbers = #tpu.dot_dimension_numbers<[1], [0], [0], [1], [0, 0, 1, 1], [], []>, transpose_lhs_hint = false} : vector<64x1024xbf16>, vector<1024x512xbf16>, vector<64x512xf32> -> vector<64x512xf32>
    %get3A_443 = arith.constant 6 : index
    %get3A_444 = arith.constant 0 : index
    %get3A_445 = arith.constant 0 : index
    %get3A_446 = vector.load %arg5[%get3A_443, %get3A_444, %get3A_445] : memref<8x64x1024xbf16, #tpu.memory_space<vmem>>, vector<1x64x1024xbf16>
    %get3A_447 = vector.shape_cast %get3A_446 : vector<1x64x1024xbf16> to vector<64x1024xbf16>
    %dot_general3A_448 = arith.constant dense<0.000000e+00> : vector<64x512xf32>
    %dot_general3A_449 = tpu.matmul %get3A_447, %convert_element_type3A_435, %dot_general3A_448 {dimension_numbers = #tpu.dot_dimension_numbers<[1], [0], [0], [1], [0, 0, 1, 1], [], []>, transpose_lhs_hint = false} : vector<64x1024xbf16>, vector<1024x512xbf16>, vector<64x512xf32> -> vector<64x512xf32>
    %add3A_450 = arith.addf %dot_general3A_442, %dot_general3A_449 : vector<64x512xf32>
    %get3A_451 = arith.constant 6 : index
    %get3A_452 = arith.constant 0 : index
    %get3A_453 = arith.constant 0 : index
    %get3A_454 = vector.load %arg6[%get3A_451, %get3A_452, %get3A_453] : memref<8x64x1024xbf16, #tpu.memory_space<vmem>>, vector<1x64x1024xbf16>
    %get3A_455 = vector.shape_cast %get3A_454 : vector<1x64x1024xbf16> to vector<64x1024xbf16>
    %dot_general3A_456 = arith.constant dense<0.000000e+00> : vector<64x512xf32>
    %dot_general3A_457 = tpu.matmul %get3A_455, %convert_element_type3A_435, %dot_general3A_456 {dimension_numbers = #tpu.dot_dimension_numbers<[1], [0], [0], [1], [0, 0, 1, 1], [], []>, transpose_lhs_hint = false} : vector<64x1024xbf16>, vector<1024x512xbf16>, vector<64x512xf32> -> vector<64x512xf32>
    %add3A_458 = arith.addf %add3A_450, %dot_general3A_457 : vector<64x512xf32>
    %swap3A_459 = arith.constant 384 : index
    %swap3A_460 = arith.constant 0 : index
    %swap3A_461 = vector.load %arg7[%swap3A_459, %swap3A_460] : memref<512x512xf32, #tpu.memory_space<vmem>>, vector<64x512xf32>
    tpu.vector_store %arg7[%swap3A_459, %swap3A_460], %add3A_458 {strides = array<i32>} : memref<512x512xf32, #tpu.memory_space<vmem>>, vector<64x512xf32>,
    %swap3A_462 = arith.constant 6 : index
    %swap3A_463 = arith.constant 0 : index
    %swap3A_464 = vector.load %arg8[%swap3A_462, %swap3A_463] : memref<8x512xi32, #tpu.memory_space<vmem>>, vector<1x512xi32>
    tpu.vector_store %arg8[%swap3A_462, %swap3A_463], %broadcast_in_dim3A_430 {strides = array<i32>} : memref<8x512xi32, #tpu.memory_space<vmem>>, vector<1x512xi32>,
    %sub3A_465 = arith.subf %add3A_401, %add3A_458 : vector<64x512xf32>
    %get3A_466 = arith.constant 448 : index
    %get3A_467 = arith.constant 0 : index
    %get3A_468 = vector.load %arg1[%get3A_466, %get3A_467] : memref<512x512xf32, #tpu.memory_space<vmem>>, vector<64x512xf32>
    %add3A_469 = arith.addf %get3A_468, %sub3A_465 : vector<64x512xf32>
    %get3A_470 = arith.constant 7 : index
    %get3A_471 = arith.constant 0 : index
    %get3A_472 = arith.constant 0 : index
    %get3A_473 = vector.load %arg2[%get3A_470, %get3A_471, %get3A_472] : memref<8x1024x64xbf16, #tpu.memory_space<vmem>>, vector<1x1024x64xbf16>
    %get3A_474 = vector.shape_cast %get3A_473 : vector<1x1024x64xbf16> to vector<1024x64xbf16>
    %convert_element_type3A_475 = arith.truncf %add3A_469 : vector<64x512xf32> to vector<64x512xbf16>
    %dot_general3A_476 = arith.constant dense<0.000000e+00> : vector<1024x512xf32>
    %dot_general3A_477 = tpu.matmul %get3A_474, %convert_element_type3A_475, %dot_general3A_476 {dimension_numbers = #tpu.dot_dimension_numbers<[1], [0], [0], [1], [0, 0, 1, 1], [], []>, transpose_lhs_hint = false} : vector<1024x64xbf16>, vector<64x512xbf16>, vector<1024x512xf32> -> vector<1024x512xf32>
    %get3A_478 = arith.constant 7 : index
    %get3A_479 = arith.constant 0 : index
    %get3A_480 = arith.constant 0 : index
    %get3A_481 = vector.load %arg3[%get3A_478, %get3A_479, %get3A_480] : memref<8x1024x1xf32, #tpu.memory_space<vmem>>, vector<1x1024x1xf32>
    %get3A_482 = vector.shape_cast %get3A_481 : vector<1x1024x1xf32> to vector<1024x1xf32>
    %mul3A_483 = arith.constant 2.000000e+00 : f32
    %mul3A_484 = vector.broadcast %mul3A_483 : f32 to vector<1024x512xf32>
    %mul3A_485 = arith.mulf %mul3A_484, %dot_general3A_477 : vector<1024x512xf32>
    %sub3A_486 = vector.broadcast %get3A_482 : vector<1024x1xf32> to vector<1024x512xf32>
    %sub3A_487 = arith.subf %sub3A_486, %mul3A_485 : vector<1024x512xf32>
    %reduce_min3A_488 = arith.constant dense<0x7F800000> : vector<512xf32>
    %reduce_min3A_489 = vector.multi_reduction <minimumf>, %sub3A_487, %reduce_min3A_488 [0] : vector<1024x512xf32> to vector<512xf32>
    %broadcast_in_dim3A_490 = vector.shape_cast %reduce_min3A_489 : vector<512xf32> to vector<1x512xf32>
    %eq3A_491 = vector.broadcast %broadcast_in_dim3A_490 : vector<1x512xf32> to vector<1024x512xf32>
    %eq3A_492 = arith.cmpf oeq, %sub3A_487, %eq3A_491 : vector<1024x512xf32>
    %jit3A_493 = arith.constant 1024 : i32
    %broadcast_in_dim3A_494 = vector.broadcast %jit3A_493 : i32 to vector<1024x512xi32>
    %select_n3A_495 = arith.select %eq3A_492, %iota3A, %broadcast_in_dim3A_494 : vector<1024x512xi1>, vector<1024x512xi32>
    %reduce_min3A_496 = arith.constant dense<2147483647> : vector<512xi32>
    %reduce_min3A_497 = vector.multi_reduction <minsi>, %select_n3A_495, %reduce_min3A_496 [0] : vector<1024x512xi32> to vector<512xi32>
    %broadcast_in_dim3A_498 = vector.shape_cast %reduce_min3A_497 : vector<512xi32> to vector<1x512xi32>
    %eq3A_499 = vector.broadcast %broadcast_in_dim3A_498 : vector<1x512xi32> to vector<1024x512xi32>
    %eq3A_500 = arith.cmpi eq, %iota3A, %eq3A_499 : vector<1024x512xi32>
    %convert_element_type3A_501 = arith.extui %eq3A_500 : vector<1024x512xi1> to vector<1024x512xi32>
    %convert_element_type3A_502 = arith.sitofp %convert_element_type3A_501 : vector<1024x512xi32> to vector<1024x512xf32>
    %convert_element_type3A_503 = arith.truncf %convert_element_type3A_502 : vector<1024x512xf32> to vector<1024x512xbf16>
    %get3A_504 = arith.constant 7 : index
    %get3A_505 = arith.constant 0 : index
    %get3A_506 = arith.constant 0 : index
    %get3A_507 = vector.load %arg4[%get3A_504, %get3A_505, %get3A_506] : memref<8x64x1024xbf16, #tpu.memory_space<vmem>>, vector<1x64x1024xbf16>
    %get3A_508 = vector.shape_cast %get3A_507 : vector<1x64x1024xbf16> to vector<64x1024xbf16>
    %dot_general3A_509 = arith.constant dense<0.000000e+00> : vector<64x512xf32>
    %dot_general3A_510 = tpu.matmul %get3A_508, %convert_element_type3A_503, %dot_general3A_509 {dimension_numbers = #tpu.dot_dimension_numbers<[1], [0], [0], [1], [0, 0, 1, 1], [], []>, transpose_lhs_hint = false} : vector<64x1024xbf16>, vector<1024x512xbf16>, vector<64x512xf32> -> vector<64x512xf32>
    %get3A_511 = arith.constant 7 : index
    %get3A_512 = arith.constant 0 : index
    %get3A_513 = arith.constant 0 : index
    %get3A_514 = vector.load %arg5[%get3A_511, %get3A_512, %get3A_513] : memref<8x64x1024xbf16, #tpu.memory_space<vmem>>, vector<1x64x1024xbf16>
    %get3A_515 = vector.shape_cast %get3A_514 : vector<1x64x1024xbf16> to vector<64x1024xbf16>
    %dot_general3A_516 = arith.constant dense<0.000000e+00> : vector<64x512xf32>
    %dot_general3A_517 = tpu.matmul %get3A_515, %convert_element_type3A_503, %dot_general3A_516 {dimension_numbers = #tpu.dot_dimension_numbers<[1], [0], [0], [1], [0, 0, 1, 1], [], []>, transpose_lhs_hint = false} : vector<64x1024xbf16>, vector<1024x512xbf16>, vector<64x512xf32> -> vector<64x512xf32>
    %add3A_518 = arith.addf %dot_general3A_510, %dot_general3A_517 : vector<64x512xf32>
    %get3A_519 = arith.constant 7 : index
    %get3A_520 = arith.constant 0 : index
    %get3A_521 = arith.constant 0 : index
    %get3A_522 = vector.load %arg6[%get3A_519, %get3A_520, %get3A_521] : memref<8x64x1024xbf16, #tpu.memory_space<vmem>>, vector<1x64x1024xbf16>
    %get3A_523 = vector.shape_cast %get3A_522 : vector<1x64x1024xbf16> to vector<64x1024xbf16>
    %dot_general3A_524 = arith.constant dense<0.000000e+00> : vector<64x512xf32>
    %dot_general3A_525 = tpu.matmul %get3A_523, %convert_element_type3A_503, %dot_general3A_524 {dimension_numbers = #tpu.dot_dimension_numbers<[1], [0], [0], [1], [0, 0, 1, 1], [], []>, transpose_lhs_hint = false} : vector<64x1024xbf16>, vector<1024x512xbf16>, vector<64x512xf32> -> vector<64x512xf32>
    %add3A_526 = arith.addf %add3A_518, %dot_general3A_525 : vector<64x512xf32>
    %swap3A_527 = arith.constant 448 : index
    %swap3A_528 = arith.constant 0 : index
    %swap3A_529 = vector.load %arg7[%swap3A_527, %swap3A_528] : memref<512x512xf32, #tpu.memory_space<vmem>>, vector<64x512xf32>
    tpu.vector_store %arg7[%swap3A_527, %swap3A_528], %add3A_526 {strides = array<i32>} : memref<512x512xf32, #tpu.memory_space<vmem>>, vector<64x512xf32>,
    %swap3A_530 = arith.constant 7 : index
    %swap3A_531 = arith.constant 0 : index
    %swap3A_532 = vector.load %arg8[%swap3A_530, %swap3A_531] : memref<8x512xi32, #tpu.memory_space<vmem>>, vector<1x512xi32>
    tpu.vector_store %arg8[%swap3A_530, %swap3A_531], %broadcast_in_dim3A_498 {strides = array<i32>} : memref<8x512xi32, #tpu.memory_space<vmem>>, vector<1x512xi32>,
    return
  }
  func.func @transform_0(%arg0: i32) -> (i32, i32) {
    %c0_i32 = arith.constant 0 : i32
    %c0_i32_0 = arith.constant 0 : i32
    return %c0_i32, %arg0 : i32, i32
  }
  func.func @transform_1(%arg0: i32) -> (i32, i32, i32) {
    %c0_i32 = arith.constant 0 : i32
    %c0_i32_0 = arith.constant 0 : i32
    %c0_i32_1 = arith.constant 0 : i32
    %c0_i32_2 = arith.constant 0 : i32
    return %c0_i32, %c0_i32_0, %c0_i32_1 : i32, i32, i32
  }
  func.func @transform_2(%arg0: i32) -> (i32, i32, i32) {
    %c0_i32 = arith.constant 0 : i32
    %c0_i32_0 = arith.constant 0 : i32
    %c0_i32_1 = arith.constant 0 : i32
    %c0_i32_2 = arith.constant 0 : i32
    return %c0_i32, %c0_i32_0, %c0_i32_1 : i32, i32, i32
  }
  func.func @transform_3(%arg0: i32) -> (i32, i32, i32) {
    %c0_i32 = arith.constant 0 : i32
    %c0_i32_0 = arith.constant 0 : i32
    %c0_i32_1 = arith.constant 0 : i32
    %c0_i32_2 = arith.constant 0 : i32
    return %c0_i32, %c0_i32_0, %c0_i32_1 : i32, i32, i32
  }
  func.func @transform_4(%arg0: i32) -> (i32, i32, i32) {
    %c0_i32 = arith.constant 0 : i32
    %c0_i32_0 = arith.constant 0 : i32
    %c0_i32_1 = arith.constant 0 : i32
    %c0_i32_2 = arith.constant 0 : i32
    return %c0_i32, %c0_i32_0, %c0_i32_1 : i32, i32, i32
  }
  func.func @transform_5(%arg0: i32) -> (i32, i32, i32) {
    %c0_i32 = arith.constant 0 : i32
    %c0_i32_0 = arith.constant 0 : i32
    %c0_i32_1 = arith.constant 0 : i32
    %c0_i32_2 = arith.constant 0 : i32
    return %c0_i32, %c0_i32_0, %c0_i32_1 : i32, i32, i32
  }
  func.func @transform_6(%arg0: i32) -> (i32, i32) {
    %c0_i32 = arith.constant 0 : i32
    %c0_i32_0 = arith.constant 0 : i32
    return %c0_i32, %arg0 : i32, i32
  }
  func.func @transform_7(%arg0: i32) -> (i32, i32) {
    %c0_i32 = arith.constant 0 : i32
    %c0_i32_0 = arith.constant 0 : i32
    return %c0_i32, %arg0 : i32, i32
  }
}

</mosaic_0001>

<sc_bundles>
// kernel: sparse-core-data-format-call.1.cloned.1.call-start
scs
called_computation.1_lowered:
.L_overlay_start_0:
0x0: {  	s2 =	sld [smem:$0x3FD9]  }
0x1: {  	s3 =	sld [smem:$0x3FFE];
	_ =	sdelay $0x1  }
0x2: {  	s1 =	srdreg.scid  }
0x3: {  	s0 =	sand.u32 $0x1, s1  }
0x4: {  	s16 =	sshll.u32 s0, $0xA;
	s2 =	sadd.s32 s3, s2  }
0x5: {  	s2 =	sadd.s32 s2, s16  }
0x6: {  	[smem:$0x3FC6] =	sst s2  }
0x7: {  	_ = 	snop  }
0x8: {  	s2 =	sld [smem:$0x3FD0];
	_ =	sdelay $0x2  }
0x9: {  	s4 =	simm.s32 $0xA;
	s5 =	simm.s32 $0x10;
	s17 =	sld [smem:$0x3FC9]  }
0xa: {  	[smem:s5], [sflag:s4] =	dma.local [hbm:s2], $0x1  }
0xb: {  	_ =	swait.eq [sflag:s4], $0x1  }
0xc: {  	[sflag:s4] =	ssyncset.done $0x0  }
0xd: {  	[sflag:s4] =	ssyncadd.s32 $0xFFFFFFFF  }
0xe: {  	s18 =	sld [smem:$0x10];
	(tm) =	ssettm $0x1  }
0xf: {  	s19 =	sld [smem:$0x3FFB];
	_ =	sdelay $0x3  }
0x10: {  	_ =	strace s19  }
0x11: {  	s4 =	sld [smem:$0x3FFC];
	_ =	sdelay $0x3  }
0x12: {  	_ =	strace s4  }
0x13: {  	s4 =	sld [smem:$0x3FFD];
	_ =	sdelay $0x3  }
0x14: {  	_ =	strace s4  }
0x15: {  	_ =	strace $0x8FFFFFFF  }
0x16: {  	s20 =	sld [smem:$0x3FDB];
	_ =	sdelay $0x1  }
0x17: {  	s21 =	simm.s32 $_scs_section_size  }
0x18: {  	s6 =	simm.s32 $_size__tile_overlayer_lowered;
	s7 =	simm.s32 $_tile_overlayer_lowered  }
0x19: {  	s24 =	simm.s32 $0x1BFF;
	s23 =	sshll.u32 s7, $0x1;
	s4 =	sadd.s32 s21, s20  }
0x1a: {  	s8 =	simm.s32 $0x0;
	s22 =	sshll.u32 s6, $0x1;
	s6 =	sadd.s32 s23, s4  }
0x1b: {  	[timem:s8], [sflag:s24] =	dma.local [hbm:s6], s22  }
0x1c: {  	_ =	swait.ge [sflag:s24], s22  }
0x1d: {  	s5 =	ssub.s32 $0x0, s22;
	[sflag:s24] =	ssyncset.done $0x0  }
0x1e: {  	[sflag:s24] =	ssyncadd.s32 s5;
	_ =	sdelay $0x1  }
0x1f: {  	s25 =	simm.s32 $0x1B8B  }
0x20: {  	_ =	swait.ge [sflag:s25], $0x1  }
0x21: {  	[sflag:s25] =	ssyncset.done $0x0  }
0x22: {  	s26 =	simm.s32 $0x1B8E;
	[sflag:s25] =	ssyncadd.s32 $0xFFFFFFFF  }
0x23: {  	s27 =	simm.s32 $execute0_lowered;
	[smem:$0x3FD2] =	sst s26  }
0x24: {  	s5 =	sshll.u32 s27, $0x1;
	_ =	strace $0x80000046;
	[dreg:$0x1] =	wrdreg $0xFFFFFFFF  }
0x25: {  	s28 =	simm.s32 $_size_execute0_lowered;
	s4 =	sadd.s32 s4, s5;
	[dreg:$0x0] =	wrdreg $0x0  }
0x26: {  	s5 =	sshll.u32 s28, $0x1;
	[dreg:$0x2] =	wrdreg s4  }
0x27: {  	[dreg:$0x3] =	wrdreg s5  }
0x28: {  	[dreg:$0x4] =	wrdreg $0xC0  }
0x29: {  	_ =	task [dreg:s8], $0x5FFFF  }
0x2a: {  	[dreg:$0x1] =	wrdreg $0xFFFFFFFF  }
0x2b: {  	[dreg:$0x0] =	wrdreg $0x60  }
0x2c: {  	[dreg:$0x2] =	wrdreg s17  }
0x2d: {  	[dreg:$0x3] =	wrdreg s18  }
0x2e: {  	[dreg:$0x4] =	wrdreg $0x9  }
0x2f: {  	_ =	task.clear_ibuf [dreg:s8], $0x5FFFF;
	_ =	strace $0x90000046  }
0x30: {  	s29 =	simm.s32 $0x9;
	_ =	strace $0x80000048  }
0x31: {  	_ =	swait.ge [sflag:s29], $0x1  }
0x32: {  	[sflag:s29] =	ssyncadd.s32 $0xFFFFFFFF  }
0x33: {  	_ =	strace $0x90000048  }
0x34: {  	_ =	sfence  }
0x35: {  	s30 =	sld [smem:$0x0];
	_ =	sdelay $0x2  }
0x36: {  	s31 =	sshll.u32 s1, $0xD;
	s1 =	sshrl.u32 s1, $0x2  }
0x37: {  	s3 =	sand.u32 $0x4000, s31;
	s1 =	sadd.s32 s1, s30  }
0x38: {  	s0 =	sor.u32 s3, s0;
	s1 =	sshll.u32 s1, $0x11  }
0x39: {  	s0 =	sor.u32 s1, s0  }
0x3a: {  	s0 =	sadd.s32 $0x8F2B, s0  }
0x3b: {  	[sflag:s0] =	ssyncadd.remote.s32 $0x1  }
0x3c: {  	_ =	sfence.sel $0xFFFF  }
0x3d: {  	[dreg:$0x0] =	wrdreg $0xFFFFFFFF;
	(pc) =	sbr.abs _section_cstart, $3  }
0x3e: {  	[dreg:$0x1] =	wrdreg $0xFFFFFFFF  }
0x3f: {  	_ =	task.clear_ibuf [dreg:s8], $0x2FFFF;
	_ =	strace $0x9FFFFFFF  }
0x40: {  	(tm) =	ssettm $0x7FFFFFFF  }
0x41: {  	_ =	shalt  }
tec
execute0_lowered:
.L_overlay_start_1:
0x0: {  	(tag) =	ssettag $0x1  }
0x1: {  	s0 =	srdreg.scid  }
0x2: {  	s1 =	sshll.u32 s0, $0x4  }
0x3: {  	s3 =	rddreg [dreg:$0x0];
	s0 =	stileid.u32;
	s1 =	sand.u32 $0x10, s1  }
0x4: {  	s4 =	rddreg [dreg:$0x1];
	s1 =	sor.u32 s0, s1  }
0x5: {  	s6 =	simm.s32 $0x1;
	s31 =	simm.s32 $0x2;
	s2 =	sshll.u32 s1, $0x7  }
0x6: {  	s13 =	simm.s32 $0x0;
	s8 =	simm.s32 $0x40000;
	s5 =	ssub.s32 $0x8000, s2  }
0x7: {  	s12 =	simm.s32 $0x0;
	s9 =	simm.s32 $0x0;
	s30 =	sand.u32 $0xF80, s5  }
.Ltmp0:
0x8: {  	s11 =	simm.s32 $0x0;
	p0 =	sne.s32 s30, $0x0;
	(pc) =	sbr.rel .LBB1_1-.Ltmp0, $4  }
0x9: {  	s1 =	rddreg [dreg:$0x2];
	s7 =	sshrl.u32 s5, $0xC;
	s6 =	simm.s32 @!p0 $0x0  }
0xa: {  	_ =	strace $0x80000047;
	s5 =	simm.s32 $0x1;
	s6 =	sadd.s32 s6, s7  }
0xb: {  	s10 =	smov.u32 s2;
	[sflag:s5] =	ssyncpa.u1 $0x0;
	s6 =	sshll.u32 s6, $0x2  }
0xc: {  	[sflag:s31] =	ssyncpa.u1 $0x0;
	p0 =	por $0x0, $0x0;
	s7 =	sor.u32 $0x1, s6  }
.LBB1_4:
0xd: {  	v5 =	vld [tilespmem:s16+$0xFFFFFFD0]  }
0xe: {  	[tilespmem:s17+$0x2040 ss:$0x81] =	vst.msk $0xffff, v1;
	v58 =	vld [tilespmem:s16+$0xFFFFFFE0]  }
0xf: {  	[tilespmem:s17+$0x2850 ss:$0x81] =	vst.msk $0xffff, v2;
	v59 =	vld [tilespmem:s16+$0xFFFFFFF0]  }
0x10: {  	s18 =	sshra.s32 s18, $0x2;
	[tilespmem:s17+$0x3060 ss:$0x81] =	vst.msk $0xffff, v3;
	v60 =	vld [tilespmem:s16+$0x0]  }
0x11: {  	[tilespmem:s17+$0x0 ss:$0x81] =	vst.msk $0xffff, v0;
	v61 =	vld [tilespmem:s16+$0x10];
	s15 =	sadd.s32 s18, s15  }
0x12: {  	s26 =	sshll.u32 s13, $0xF;
	v62 =	vld [tilespmem:s16+$0x20];
	[tilespmem:s15+$0x3870 ss:$0x81] =	vst.msk $0xffff, v4  }
0x13: {  	s27 =	sand.u32 $0x78, s12;
	s19 =	sshll.u32 s12, $0x3;
	v63 =	vld [tilespmem:s16+$0xFFFFFFC0];
	s29 =	sshll.u32 s13, $0x7;
	[tilespmem:s15+$0x810 ss:$0x81] =	vst.msk $0xffff, v5  }
0x14: {  	s17 =	sand.u32 $0xFC0000, s26;
	s28 =	sand.u32 $0xFFFC00, s19;
	s19 =	sand.u32 $0x7C00, s19;
	[tilespmem:s15+$0x1020 ss:$0x81] =	vst.msk $0xffff, v58  }
0x15: {  	s13 =	sand.u32 $0x380, s29;
	s16 =	sadd.s32 s28, s17;
	s30 =	sor.u32 s27, s19;
	[tilespmem:s15+$0x1830 ss:$0x81] =	vst.msk $0xffff, v59  }
0x16: {  	s16 =	sand.u32 $0xFF8000, s16;
	s13 =	sor.u32 s13, s30;
	[tilespmem:s15+$0x2040 ss:$0x81] =	vst.msk $0xffff, v60  }
0x17: {  	s31 =	sand.u32 $0x7, s12;
	s13 =	sor.u32 s16, s13;
	[tilespmem:s15+$0x2850 ss:$0x81] =	vst.msk $0xffff, v61  }
0x18: {  	s12 =	sshll.u32 s31, $0x12;
	[tilespmem:s15+$0x3060 ss:$0x81] =	vst.msk $0xffff, v62;
	s13 =	sshrl.u32 s13, $0x3  }
0x19: {  	s12 =	sor.u32 $0x400, s12;
	[tilespmem:s15+$0x0 ss:$0x81] =	vst.msk $0xffff, v63;
	s13 =	sadd.s32 s4, s13  }
0x1a: {  	[hbm4b:s13+s12] =	stream.strided.scatter [tilespmem:s14], [sflag:$0x2], $0x4000, s8, s12, $0x20;
	[tilespmem:$0x10100] =	vst v63  }
.LBB1_5:
0x1b: {  	s14 =	sadd.s32 $0x80, s9  }
0x1c: {  	s12 =	sadd.s32 $0x1000, s10;
	s16 =	smov.u32 s10;
	p2 =	sgt.s32 s14, $0x1FF  }
0x1d: {  	s16 =	smov.u32 @p2 s12  }
0x1e: {  	s14 =	simm.s32 @p2 $0x0;
	p2 =	sgt.s32 s16, $0x7FFF  }
0x1f: {  	s16 =	smov.u32 @p2 s2;
	p2 =	sne.s32 s11, s7  }
.Ltmp1:
0x20: {  	p1 =	slt.u32 s11, $0x2;
	(pc) =	sbr.rel @!p2 .LBB1_6-.Ltmp1, $4  }
0x21: {  	s15 =	simm.s32 @!p1 $0x2  }
0x22: {  	s13 =	smov.u32 s9;
	p0 =	por !p0, !p0;
	_ =	swait.ge @!p1 [sflag:s15], $0x4000  }
0x23: {  	s12 =	smov.u32 s10;
	[sflag:s15] =	ssyncset.done @!p1 $0x0;
	s9 =	smov.u32 s14  }
0x24: {  	s11 =	sadd.s32 $0x1, s11;
	[sflag:s15] =	ssyncadd.s32 @!p1 $0xFFFFC000;
	s10 =	smov.u32 s16  }
.LBB1_1:
0x25: {  	p1 =	sge.u32 s11, s6  }
0x26: {  	s31 =	sadd.s32 $0xFFFFFFFF, s11;
	s14 =	sshll.u32 @!p1 s10, $0x9  }
0x27: {  	s15 =	sshll.u32 @!p1 s9, $0x3;
	s16 =	sshll.u32 @!p1 s10, $0x7;
	s14 =	sand.u32 @!p1 $0xFFF000, s14  }
0x28: {  	s17 =	sand.u32 @!p1 $0x78, s9;
	s14 =	sadd.s32 @!p1 s14, s15;
	s15 =	sand.u32 @!p1 $0x380, s16  }
0x29: {  	s16 =	sxor.u32 @!p1 $0xFFFFFFFF, s11;
	s14 =	sand.u32 @!p1 $0xFFFC00, s14;
	s15 =	sor.u32 @!p1 s15, s17  }
0x2a: {  	s16 =	sshll.u32 @!p1 s16, $0xE;
	s14 =	sor.u32 @!p1 s14, s15;
	s15 =	sand.u32 @!p1 $0x7, s9  }
0x2b: {  	s17 =	simm.s32 @!p1 $0x1000;
	s14 =	sshrl.u32 @!p1 s14, $0x3;
	s15 =	sshll.u32 @!p1 s15, $0x12  }
0x2c: {  	s16 =	sand.u32 @!p1 $0x4000, s16;
	s14 =	sadd.s32 @!p1 s3, s14;
	s15 =	sor.u32 @!p1 $0x400, s15  }
0x2d: {  	[tilespmem:s16], [sflag:$0x1] =	stream.strided.gather @!p1 [hbm4b:s14+s15], $0x4000, s17, s15, $0x38;
	[tilespmem:$0x10100] =	vst v63  }
0x2e: {  	p1 =	sge.u32 s31, s6  }
.Ltmp2:
0x2f: {  	_ = 	snop;
	(pc) =	sbr.rel @p1 .LBB1_5-.Ltmp2, $1  }
0x30: {  	_ =	sdelay $0x3  }
0x31: {  	s14 =	simm.s32 $0x1  }
0x32: {  	_ =	swait.ge [sflag:s5], $0x4000;
	s14 =	simm.s32 @!p0 $0x0  }
0x33: {  	[sflag:s5] =	ssyncset.done $0x0;
	s15 =	sshll.u32 s14, $0xE  }
0x34: {  	[sflag:s5] =	ssyncadd.s32 $0xFFFFC000;
	s16 =	sor.u32 $0x40, s15  }
0x35: {  	s14 =	smul.u32 $0x10200, s14;
	v0 =	vld [tilespmem:s16+$0x30]  }
0x36: {  	v3 =	vld [tilespmem:s16+$0xFFFFFFD0]  }
0x37: {  	s14 =	sshrl.u32 s14, $0x2;
	v4 =	vld [tilespmem:s16+$0xFFFFFFE0]  }
0x38: {  	v5 =	vld [tilespmem:s16+$0xFFFFFFF0];
	s15 =	sor.u32 $0x8000, s14  }
0x39: {  	s31 =	sand.u32 $0x1, s11;
	v1 =	vld [tilespmem:s16+$0x0];
	s17 =	sadd.s32 $0x0, s15  }
0x3a: {  	v2 =	vld [tilespmem:s16+$0x10];
	s14 =	smul.u32 $0x10200, s31;
	[tilespmem:s17+$0x3870 ss:$0x81] =	vst.msk $0xffff, v0  }
0x3b: {  	[tilespmem:s17+$0x810 ss:$0x81] =	vst.msk $0xffff, v3;
	v3 =	vld [tilespmem:s16+$0x20]  }
0x3c: {  	s14 =	sshrl.u32 s14, $0x2;
	v0 =	vld [tilespmem:s16+$0xFFFFFFC0];
	[tilespmem:s17+$0x1020 ss:$0x81] =	vst.msk $0xffff, v4;
	s16 =	sadd.s32 $0x80, s16  }
0x3d: {  	s18 =	simm.s32 $0x4;
	s19 =	simm.s32 $0x8;
	s14 =	sor.u32 $0x8000, s14;
	[tilespmem:s17+$0x1830 ss:$0x81] =	vst.msk $0xffff, v5;
	v4 =	vld [tilespmem:s16+$0x30]  }
.LBB1_3:
0x3e: {  	p1 =	sne.s32 s19, $0x1FC;
	v5 =	vld [tilespmem:s16+$0xFFFFFFD0];
	[tilespmem:s17+$0x2040 ss:$0x81] =	vst.msk $0xffff, v1  }
0x3f: {  	v6 =	vld [tilespmem:s16+$0xFFFFFFE0];
	[tilespmem:s17+$0x2850 ss:$0x81] =	vst.msk $0xffff, v2  }
0x40: {  	s20 =	sshra.s32 s18, $0x2;
	s18 =	smov.u32 s19;
	v7 =	vld [tilespmem:s16+$0xFFFFFFF0];
	[tilespmem:s17+$0x3060 ss:$0x81] =	vst.msk $0xffff, v3  }
.Ltmp3:
0x41: {  	v1 =	vld [tilespmem:s16+$0x0];
	[tilespmem:s17+$0x0 ss:$0x81] =	vst.msk $0xffff, v0;
	s17 =	sadd.s32 s20, s15;
	(pc) =	sbr.rel @p1 .LBB1_3-.Ltmp3, $4  }
0x42: {  	v2 =	vld [tilespmem:s16+$0x10];
	[tilespmem:s17+$0x3870 ss:$0x81] =	vst.msk $0xffff, v4  }
0x43: {  	[tilespmem:s17+$0x810 ss:$0x81] =	vst.msk $0xffff, v5;
	v3 =	vld [tilespmem:s16+$0x20]  }
0x44: {  	v0 =	vld [tilespmem:s16+$0xFFFFFFC0];
	[tilespmem:s17+$0x1020 ss:$0x81] =	vst.msk $0xffff, v6;
	s16 =	sadd.s32 $0x80, s16  }
0x45: {  	s19 =	sadd.s32 $0x4, s19;
	v4 =	vld [tilespmem:s16+$0x30];
	[tilespmem:s17+$0x1830 ss:$0x81] =	vst.msk $0xffff, v7  }
.Ltmp4:
0x46: {  	_ = 	snop;
	(pc) =	sbr.rel .LBB1_4-.Ltmp4, $1  }
0x47: {  	_ =	sdelay $0x3  }
.LBB1_6:
0x48: {  	_ =	sfence.sel $0x180000  }
0x49: {  	s2 =	simm.s32 $0x1;
	[bflag:$0x0] =	sbarrier.arrive $0xFFFF  }
0x4a: {  	s31 =	simm.s32 $0x2;
	[sflag:s2] =	ssyncpa.u1 $0x1  }
0x4b: {  	[sflag:s31] =	ssyncpa.u1 $0x1  }
0x4c: {  	p0 =	sne.s32 s0, $0x0;
	_ =	strace $0x90000047  }
0x4d: {  	s0 =	sadd.s32 @!p0 $0x100000, s1;
	[bflag:$0x2] =	sbarrier.arrive $0xFFFF  }
0x4e: {  	[sflag:s0] =	ssyncadd.tile.s32 @!p0 $0x1;
	_ =	shalt  }
.Lfunc_end1:
_tile_overlayer_lowered:
.L_overlay_start_2:
0x4f: {  	(tag) =	ssettag $0x2  }
0x50: {  	s0 =	rddreg [dreg:$0x0];
	s2 =	stileid.u32  }
0x51: {  	s1 =	rddreg [dreg:$0x1];
	p0 =	sne.s32 s2, $0x0  }
0x52: {  	s3 =	rddreg [dreg:$0x2];
	[bflag:$0x3] =	sbarrier.arrive $0xFFFF;
	s2 =	simm.s32 @!p0 $0x1C01  }
0x53: {  	[timem:s3], [sflag:s2] =	dma.local @!p0 [hbm:s0], s1  }
0x54: {  	s0 =	simm.s32 @!p0 $0x1  }
0x55: {  	_ =	swait.ge @!p0 [sflag:s0], s1  }
0x56: {  	s1 =	ssub.s32 @!p0 $0x0, s1;
	[sflag:s0] =	ssyncset.done @!p0 $0x0  }
0x57: {  	[sflag:s0] =	ssyncadd.s32 @!p0 s1  }
0x58: {  	[bflag:$0x3] =	sbarrier.arrive $0xFFFF  }
0x59: {  	_ =	shalt  }

// kernel: sparse-core-data-format-call.cloned.1.call-start
scs
called_computation_lowered:
.L_overlay_start_0:
0x0: {  	s2 =	sld [smem:$0x3FD9]  }
0x1: {  	s3 =	sld [smem:$0x3FFE];
	_ =	sdelay $0x1  }
0x2: {  	s1 =	srdreg.scid  }
0x3: {  	s0 =	sand.u32 $0x1, s1  }
0x4: {  	s15 =	sshll.u32 s0, $0xA;
	s2 =	sadd.s32 s3, s2  }
0x5: {  	s2 =	sadd.s32 s2, s15  }
0x6: {  	[smem:$0x3FC6] =	sst s2  }
0x7: {  	_ = 	snop  }
0x8: {  	s2 =	sld [smem:$0x3FD0];
	_ =	sdelay $0x2  }
0x9: {  	s16 =	simm.s32 $0xA;
	s4 =	simm.s32 $0x10  }
0xa: {  	[smem:s4], [sflag:s16] =	dma.local [hbm:s2], $0x1  }
0xb: {  	_ =	swait.eq [sflag:s16], $0x1  }
0xc: {  	[sflag:s16] =	ssyncset.done $0x0  }
0xd: {  	[sflag:s16] =	ssyncadd.s32 $0xFFFFFFFF  }
0xe: {  	s17 =	sld [smem:$0x10];
	(tm) =	ssettm $0x1  }
0xf: {  	s18 =	sld [smem:$0x3FFB];
	_ =	sdelay $0x3  }
0x10: {  	_ =	strace s18  }
0x11: {  	s3 =	sld [smem:$0x3FFC];
	_ =	sdelay $0x3  }
0x12: {  	_ =	strace s3  }
0x13: {  	s3 =	sld [smem:$0x3FFD];
	_ =	sdelay $0x3  }
0x14: {  	_ =	strace s3  }
0x15: {  	_ =	strace $0x8FFFFFFF  }
0x16: {  	s19 =	sld [smem:$0x3FDB];
	_ =	sdelay $0x1  }
0x17: {  	s20 =	simm.s32 $_scs_section_size  }
0x18: {  	s5 =	simm.s32 $_size__tile_overlayer_lowered;
	s6 =	simm.s32 $_tile_overlayer_lowered  }
0x19: {  	s23 =	simm.s32 $0x1BFF;
	s22 =	sshll.u32 s6, $0x1;
	s3 =	sadd.s32 s20, s19  }
0x1a: {  	s7 =	simm.s32 $0x0;
	s21 =	sshll.u32 s5, $0x1;
	s5 =	sadd.s32 s22, s3  }
0x1b: {  	[timem:s7], [sflag:s23] =	dma.local [hbm:s5], s21  }
0x1c: {  	_ =	swait.ge [sflag:s23], s21  }
0x1d: {  	s4 =	ssub.s32 $0x0, s21;
	[sflag:s23] =	ssyncset.done $0x0  }
0x1e: {  	[sflag:s23] =	ssyncadd.s32 s4;
	_ =	sdelay $0x1  }
0x1f: {  	s24 =	simm.s32 $0x1B8B  }
0x20: {  	_ =	swait.ge [sflag:s24], $0x1  }
0x21: {  	[sflag:s24] =	ssyncset.done $0x0  }
0x22: {  	s26 =	simm.s32 $0x1B8E;
	s25 =	sld [smem:$0x3FFE];
	[sflag:s24] =	ssyncadd.s32 $0xFFFFFFFF  }
0x23: {  	s27 =	simm.s32 $execute0_lowered;
	[smem:$0x3FD2] =	sst s26  }
0x24: {  	s5 =	sshll.u32 s27, $0x1;
	_ =	strace $0x80000049;
	[dreg:$0x1] =	wrdreg $0xFFFFFFFF  }
0x25: {  	s28 =	simm.s32 $_size_execute0_lowered;
	s3 =	sadd.s32 s3, s5;
	[dreg:$0x0] =	wrdreg $0x0  }
0x26: {  	s5 =	sshll.u32 s28, $0x1;
	[dreg:$0x2] =	wrdreg s3  }
0x27: {  	[dreg:$0x3] =	wrdreg s5  }
0x28: {  	[dreg:$0x4] =	wrdreg $0xC0  }
0x29: {  	_ =	task [dreg:s7], $0x5FFFF  }
0x2a: {  	[dreg:$0x1] =	wrdreg $0xFFFFFFFF  }
0x2b: {  	[dreg:$0x0] =	wrdreg $0x60  }
0x2c: {  	[dreg:$0x2] =	wrdreg s25  }
0x2d: {  	[dreg:$0x3] =	wrdreg s17  }
0x2e: {  	[dreg:$0x4] =	wrdreg $0x9  }
0x2f: {  	_ =	task.clear_ibuf [dreg:s7], $0x5FFFF;
	_ =	strace $0x90000049  }
0x30: {  	s29 =	simm.s32 $0x9;
	_ =	strace $0x8000004B  }
0x31: {  	_ =	swait.ge [sflag:s29], $0x1  }
0x32: {  	[sflag:s29] =	ssyncadd.s32 $0xFFFFFFFF  }
0x33: {  	_ =	strace $0x9000004B  }
0x34: {  	_ =	sfence  }
0x35: {  	s30 =	sld [smem:$0x0];
	_ =	sdelay $0x2  }
0x36: {  	s31 =	sshll.u32 s1, $0xD;
	s1 =	sshrl.u32 s1, $0x2  }
0x37: {  	s3 =	sand.u32 $0x4000, s31;
	s1 =	sadd.s32 s1, s30  }
0x38: {  	s0 =	sor.u32 s3, s0;
	s1 =	sshll.u32 s1, $0x11  }
0x39: {  	s0 =	sor.u32 s1, s0  }
0x3a: {  	s0 =	sadd.s32 $0x8F2B, s0  }
0x3b: {  	[sflag:s0] =	ssyncadd.remote.s32 $0x1  }
0x3c: {  	_ =	sfence.sel $0xFFFF  }
0x3d: {  	[dreg:$0x0] =	wrdreg $0xFFFFFFFF;
	(pc) =	sbr.abs _section_cstart, $3  }
0x3e: {  	[dreg:$0x1] =	wrdreg $0xFFFFFFFF  }
0x3f: {  	_ =	task.clear_ibuf [dreg:s7], $0x2FFFF;
	_ =	strace $0x9FFFFFFF  }
0x40: {  	(tm) =	ssettm $0x7FFFFFFF  }
0x41: {  	_ =	shalt  }
tec
execute0_lowered:
.L_overlay_start_1:
0x0: {  	(tag) =	ssettag $0x1  }
0x1: {  	s7 =	rddreg [dreg:$0x0];
	s0 =	stileid.u32  }
0x2: {  	s1 =	srdreg.scid;
	s2 =	rddreg [dreg:$0x1];
	s31 =	simm.s32 $0x2  }
0x3: {  	s14 =	simm.s32 $0x0;
	s13 =	simm.s32 $0x0;
	s12 =	simm.s32 $0x0  }
0x4: {  	s3 =	sshll.u32 s0, $0x7;
	s4 =	sshll.u32 s0, $0x5;
	s1 =	sshll.u32 s1, $0x9  }
0x5: {  	s3 =	sand.u32 $0x180, s3;
	s4 =	sor.u32 s4, s1;
	s1 =	rddreg [dreg:$0x2]  }
0x6: {  	_ =	strace $0x8000004A;
	s4 =	sand.u32 $0x380, s4;
	s5 =	ssub.s32 $0x200, s3  }
0x7: {  	s6 =	sand.u32 $0x180, s5;
	s8 =	ssub.s32 $0x8000, s4;
	s10 =	sshrl.u32 s5, $0x9  }
0x8: {  	p0 =	sne.s32 s6, $0x0;
	s6 =	simm.s32 $0x1;
	s9 =	sand.u32 $0x380, s8  }
0x9: {  	s6 =	simm.s32 @!p0 $0x0;
	p0 =	sne.s32 s9, $0x0;
	s9 =	simm.s32 $0x1  }
.Ltmp0:
0xa: {  	s8 =	sshrl.u32 s8, $0xA;
	s9 =	simm.s32 @!p0 $0x0;
	(pc) =	sbr.rel .LBB1_1-.Ltmp0, $4  }
0xb: {  	s5 =	simm.s32 $0x1;
	s6 =	sadd.s32 s6, s10;
	s8 =	sadd.s32 s9, s8  }
0xc: {  	s7 =	sadd.s32 $0xA00, s7;
	[sflag:s5] =	ssyncpa.u1 $0x0;
	s6 =	smul.u32 s6, s8  }
0xd: {  	s11 =	smov.u32 s3;
	[sflag:s31] =	ssyncpa.u1 $0x0;
	p0 =	por $0x0, $0x0  }
0xe: {  	s10 =	smov.u32 s4;
	s9 =	simm.s32 $0x1000;
	s8 =	sadd.s32 $0x1, s6  }
.LBB1_4:
0xf: {  	v5 =	vld [tilespmem:s18+$0xFFFFFFD0];
	[tilespmem:s17+$0x2040 ss:$0x81] =	vst.msk $0xffff, v1  }
0x10: {  	v58 =	vld [tilespmem:s18+$0xFFFFFFE0];
	[tilespmem:s17+$0x2850 ss:$0x81] =	vst.msk $0xffff, v2  }
0x11: {  	s19 =	sshra.s32 s19, $0x2;
	v59 =	vld [tilespmem:s18+$0xFFFFFFF0];
	[tilespmem:s17+$0x3060 ss:$0x81] =	vst.msk $0xffff, v3  }
0x12: {  	v60 =	vld [tilespmem:s18+$0x0];
	[tilespmem:s17+$0x0 ss:$0x81] =	vst.msk $0xffff, v0;
	s16 =	sadd.s32 s19, s16  }
0x13: {  	v61 =	vld [tilespmem:s18+$0x10];
	[tilespmem:s16+$0x3870 ss:$0x81] =	vst.msk $0xffff, v4  }
0x14: {  	v62 =	vld [tilespmem:s18+$0x20];
	s26 =	sshll.u32 s14, $0x9;
	s27 =	sshll.u32 s13, $0x3;
	[tilespmem:s16+$0x810 ss:$0x81] =	vst.msk $0xffff, v5  }
0x15: {  	v63 =	vld [tilespmem:s18+$0xFFFFFFC0];
	s29 =	sshll.u32 s14, $0x7;
	s17 =	sand.u32 $0xFFF000, s26;
	s28 =	sand.u32 $0xFFFC00, s27;
	[tilespmem:s16+$0x1020 ss:$0x81] =	vst.msk $0xffff, v58  }
0x16: {  	s30 =	sand.u32 $0x78, s13;
	s14 =	sand.u32 $0x380, s29;
	s17 =	sadd.s32 s28, s17;
	[tilespmem:s16+$0x1830 ss:$0x81] =	vst.msk $0xffff, v59  }
0x17: {  	s14 =	sor.u32 s30, s14;
	s17 =	sand.u32 $0xFFFC00, s17;
	[tilespmem:s16+$0x2040 ss:$0x81] =	vst.msk $0xffff, v60  }
0x18: {  	s31 =	sand.u32 $0x7, s13;
	s14 =	sor.u32 s17, s14;
	[tilespmem:s16+$0x2850 ss:$0x81] =	vst.msk $0xffff, v61  }
0x19: {  	s13 =	sshll.u32 s31, $0x12;
	[tilespmem:s16+$0x3060 ss:$0x81] =	vst.msk $0xffff, v62;
	s14 =	sshrl.u32 s14, $0x3  }
0x1a: {  	s13 =	sor.u32 $0x400, s13;
	[tilespmem:s16+$0x0 ss:$0x81] =	vst.msk $0xffff, v63;
	s14 =	sadd.s32 s2, s14  }
0x1b: {  	[hbm4b:s14+s13] =	stream.strided.scatter [tilespmem:s15], [sflag:$0x2], $0x4000, s9, s13, $0x20;
	[tilespmem:$0x10100] =	vst v63  }
.LBB1_5:
0x1c: {  	s15 =	sadd.s32 $0x400, s10  }
0x1d: {  	s13 =	sadd.s32 $0x200, s11;
	s17 =	smov.u32 s11;
	p2 =	sgt.s32 s15, $0x7FFF  }
0x1e: {  	s17 =	smov.u32 @p2 s13  }
0x1f: {  	s15 =	smov.u32 @p2 s4;
	p2 =	sgt.s32 s17, $0x1FF  }
0x20: {  	s17 =	smov.u32 @p2 s3;
	p2 =	sne.s32 s12, s8  }
.Ltmp1:
0x21: {  	p1 =	slt.u32 s12, $0x2;
	(pc) =	sbr.rel @!p2 .LBB1_6-.Ltmp1, $4  }
0x22: {  	s16 =	simm.s32 @!p1 $0x2  }
0x23: {  	s14 =	smov.u32 s10;
	p0 =	por !p0, !p0;
	_ =	swait.ge @!p1 [sflag:s16], $0x4000  }
0x24: {  	s13 =	smov.u32 s11;
	[sflag:s16] =	ssyncset.done @!p1 $0x0;
	s10 =	smov.u32 s15  }
0x25: {  	s12 =	sadd.s32 $0x1, s12;
	[sflag:s16] =	ssyncadd.s32 @!p1 $0xFFFFC000;
	s11 =	smov.u32 s17  }
.LBB1_1:
0x26: {  	p1 =	sge.u32 s12, s6;
	s31 =	sadd.s32 $0xFFFFFFFF, s12  }
0x27: {  	s15 =	sand.u32 @!p1 $0x78, s10;
	s16 =	sshll.u32 @!p1 s11, $0xF;
	s17 =	sshll.u32 @!p1 s11, $0x7  }
0x28: {  	s18 =	sshll.u32 @!p1 s10, $0x3;
	s16 =	sand.u32 @!p1 $0xFC0000, s16;
	s17 =	sand.u32 @!p1 $0x380, s17  }
0x29: {  	s16 =	sadd.s32 @!p1 s16, s18;
	s18 =	sand.u32 @!p1 $0x7C00, s18;
	s15 =	sor.u32 @!p1 s17, s15  }
0x2a: {  	s17 =	sxor.u32 @!p1 $0xFFFFFFFF, s12;
	s16 =	sand.u32 @!p1 $0xFF8000, s16;
	s15 =	sor.u32 @!p1 s18, s15  }
0x2b: {  	s17 =	sshll.u32 @!p1 s17, $0xE;
	s15 =	sor.u32 @!p1 s16, s15;
	s16 =	sand.u32 @!p1 $0x7, s10  }
0x2c: {  	s18 =	simm.s32 @!p1 $0x40000;
	s15 =	sshrl.u32 @!p1 s15, $0x3;
	s16 =	sshll.u32 @!p1 s16, $0x12  }
0x2d: {  	s17 =	sand.u32 @!p1 $0x4000, s17;
	s15 =	sadd.s32 @!p1 s7, s15;
	s16 =	sor.u32 @!p1 $0x400, s16  }
0x2e: {  	[tilespmem:s17], [sflag:$0x1] =	stream.strided.gather @!p1 [hbm4b:s15+s16], $0x4000, s18, s16, $0x38;
	[tilespmem:$0x10100] =	vst v63  }
0x2f: {  	p1 =	sge.u32 s31, s6  }
.Ltmp2:
0x30: {  	_ = 	snop;
	(pc) =	sbr.rel @p1 .LBB1_5-.Ltmp2, $1  }
0x31: {  	_ =	sdelay $0x3  }
0x32: {  	s15 =	simm.s32 $0x1  }
0x33: {  	_ =	swait.ge [sflag:s5], $0x4000;
	s15 =	simm.s32 @!p0 $0x0  }
0x34: {  	[sflag:s5] =	ssyncset.done $0x0;
	s16 =	sshll.u32 s15, $0xE  }
0x35: {  	[sflag:s5] =	ssyncadd.s32 $0xFFFFC000;
	s18 =	sor.u32 $0x40, s16  }
0x36: {  	s15 =	smul.u32 $0x10200, s15;
	v0 =	vld [tilespmem:s18+$0x30]  }
0x37: {  	v3 =	vld [tilespmem:s18+$0xFFFFFFD0]  }
0x38: {  	s15 =	sshrl.u32 s15, $0x2;
	v4 =	vld [tilespmem:s18+$0xFFFFFFE0]  }
0x39: {  	v5 =	vld [tilespmem:s18+$0xFFFFFFF0];
	s16 =	sor.u32 $0x8000, s15  }
0x3a: {  	s31 =	sand.u32 $0x1, s12;
	v1 =	vld [tilespmem:s18+$0x0];
	s17 =	sadd.s32 $0x0, s16  }
0x3b: {  	v2 =	vld [tilespmem:s18+$0x10];
	s15 =	smul.u32 $0x10200, s31;
	[tilespmem:s17+$0x3870 ss:$0x81] =	vst.msk $0xffff, v0  }
0x3c: {  	[tilespmem:s17+$0x810 ss:$0x81] =	vst.msk $0xffff, v3;
	v3 =	vld [tilespmem:s18+$0x20]  }
0x3d: {  	s15 =	sshrl.u32 s15, $0x2;
	v0 =	vld [tilespmem:s18+$0xFFFFFFC0];
	[tilespmem:s17+$0x1020 ss:$0x81] =	vst.msk $0xffff, v4;
	s18 =	sadd.s32 $0x80, s18  }
0x3e: {  	s19 =	simm.s32 $0x4;
	s20 =	simm.s32 $0x8;
	s15 =	sor.u32 $0x8000, s15;
	[tilespmem:s17+$0x1830 ss:$0x81] =	vst.msk $0xffff, v5;
	v4 =	vld [tilespmem:s18+$0x30]  }
.LBB1_3:
0x3f: {  	p1 =	sne.s32 s20, $0x1FC;
	v5 =	vld [tilespmem:s18+$0xFFFFFFD0];
	[tilespmem:s17+$0x2040 ss:$0x81] =	vst.msk $0xffff, v1  }
0x40: {  	v6 =	vld [tilespmem:s18+$0xFFFFFFE0];
	[tilespmem:s17+$0x2850 ss:$0x81] =	vst.msk $0xffff, v2  }
0x41: {  	s21 =	sshra.s32 s19, $0x2;
	s19 =	smov.u32 s20;
	v7 =	vld [tilespmem:s18+$0xFFFFFFF0];
	[tilespmem:s17+$0x3060 ss:$0x81] =	vst.msk $0xffff, v3  }
.Ltmp3:
0x42: {  	v1 =	vld [tilespmem:s18+$0x0];
	[tilespmem:s17+$0x0 ss:$0x81] =	vst.msk $0xffff, v0;
	s17 =	sadd.s32 s21, s16;
	(pc) =	sbr.rel @p1 .LBB1_3-.Ltmp3, $4  }
0x43: {  	v2 =	vld [tilespmem:s18+$0x10];
	[tilespmem:s17+$0x3870 ss:$0x81] =	vst.msk $0xffff, v4  }
0x44: {  	[tilespmem:s17+$0x810 ss:$0x81] =	vst.msk $0xffff, v5;
	v3 =	vld [tilespmem:s18+$0x20]  }
0x45: {  	v0 =	vld [tilespmem:s18+$0xFFFFFFC0];
	[tilespmem:s17+$0x1020 ss:$0x81] =	vst.msk $0xffff, v6;
	s18 =	sadd.s32 $0x80, s18  }
0x46: {  	s20 =	sadd.s32 $0x4, s20;
	v4 =	vld [tilespmem:s18+$0x30];
	[tilespmem:s17+$0x1830 ss:$0x81] =	vst.msk $0xffff, v7  }
.Ltmp4:
0x47: {  	_ = 	snop;
	(pc) =	sbr.rel .LBB1_4-.Ltmp4, $1  }
0x48: {  	_ =	sdelay $0x3  }
.LBB1_6:
0x49: {  	_ =	sfence.sel $0x180000  }
0x4a: {  	s2 =	simm.s32 $0x1;
	[bflag:$0x0] =	sbarrier.arrive $0xFFFF  }
0x4b: {  	s31 =	simm.s32 $0x2;
	[sflag:s2] =	ssyncpa.u1 $0x1  }
0x4c: {  	[sflag:s31] =	ssyncpa.u1 $0x1  }
0x4d: {  	p0 =	sne.s32 s0, $0x0;
	_ =	strace $0x9000004A  }
0x4e: {  	s0 =	sadd.s32 @!p0 $0x100000, s1;
	[bflag:$0x2] =	sbarrier.arrive $0xFFFF  }
0x4f: {  	[sflag:s0] =	ssyncadd.tile.s32 @!p0 $0x1;
	_ =	shalt  }
.Lfunc_end1:
_tile_overlayer_lowered:
.L_overlay_start_2:
0x50: {  	(tag) =	ssettag $0x2  }
0x51: {  	s0 =	rddreg [dreg:$0x0];
	s2 =	stileid.u32  }
0x52: {  	s1 =	rddreg [dreg:$0x1];
	p0 =	sne.s32 s2, $0x0  }
0x53: {  	s3 =	rddreg [dreg:$0x2];
	[bflag:$0x3] =	sbarrier.arrive $0xFFFF;
	s2 =	simm.s32 @!p0 $0x1C01  }
0x54: {  	[timem:s3], [sflag:s2] =	dma.local @!p0 [hbm:s0], s1  }
0x55: {  	s0 =	simm.s32 @!p0 $0x1  }
0x56: {  	_ =	swait.ge @!p0 [sflag:s0], s1  }
0x57: {  	s1 =	ssub.s32 @!p0 $0x0, s1;
	[sflag:s0] =	ssyncset.done @!p0 $0x0  }
0x58: {  	[sflag:s0] =	ssyncadd.s32 @!p0 s1  }
0x59: {  	[bflag:$0x3] =	sbarrier.arrive $0xFFFF  }
0x5a: {  	_ =	shalt  }

</sc_bundles>
